<compile_context>
chip_gen: v7x
topology: tpu7x:2x2x1
jax: 0.10.2.dev20260603
libtpu: 0.0.44.dev20260713+nightly
codegen_flags: <defaults>
</compile_context>

<pallas_src>
import jax
import jax.numpy as jnp
from jax.experimental import pallas as pl
from jax.experimental.pallas import tpu as pltpu
from jax.experimental.pallas import tpu_sc as plsc

T, D, H, O, E, TOPK = 2048, 1024, 1024, 1024, 8, 2
BM = 256
NBLK = (T * TOPK) // BM + (E - 1)
NSLOT = NBLK * BM
TBLK = 256

_NWORK = 32
_BPW = (TOPK * T) // _NWORK
DP = D // 2


def _pack_bf16_pair(a, b):
    ua = jax.lax.bitcast_convert_type(a, jnp.uint32)
    ua = ua + jnp.uint32(0x7FFF) + ((ua >> 16) & jnp.uint32(1))
    ub = jax.lax.bitcast_convert_type(b, jnp.uint32)
    ub = ub + jnp.uint32(0x7FFF) + ((ub >> 16) & jnp.uint32(1))
    packed = (ua >> 16) | (ub & jnp.uint32(0xFFFF0000))
    return jax.lax.bitcast_convert_type(packed, jnp.int32)


def _unpack_bf16_pair(p):
    u = jax.lax.bitcast_convert_type(p, jnp.uint32)
    lo = jax.lax.bitcast_convert_type(u << 16, jnp.float32)
    hi = jax.lax.bitcast_convert_type(u & jnp.uint32(0xFFFF0000), jnp.float32)
    return lo, hi


def _gating_kernel(x_ref, G1_ref, gb1_ref, G2_ref, gb2_ref, G3_ref, gb3_ref,
                   probs_ref, loss_ref, topw_ref, dest_ref, blke_ref,
                   nused_ref, xp_ref):
    x = x_ref[...]
    xp_ref[...] = _pack_bf16_pair(x[:, :DP], x[:, DP:])
    g = jnp.dot(x, G1_ref[...], preferred_element_type=jnp.float32)
    g = jnp.maximum(g + gb1_ref[...], 0.0)
    g = jnp.dot(g, G2_ref[...], preferred_element_type=jnp.float32)
    g = jnp.maximum(g + gb2_ref[...], 0.0)
    logits = jnp.dot(g, G3_ref[...], preferred_element_type=jnp.float32)
    logits = logits + gb3_ref[...]
    m = jnp.max(logits, axis=1, keepdims=True)
    ex = jnp.exp(logits - m)
    p = ex / jnp.sum(ex, axis=1, keepdims=True)
    probs_ref[...] = p

    e_iota = jax.lax.broadcasted_iota(jnp.int32, (T, E), 1)
    m1 = jnp.max(p, axis=1, keepdims=True)
    i1 = jnp.min(jnp.where(p >= m1, e_iota, E), axis=1, keepdims=True)
    pm = jnp.where(e_iota == i1, -jnp.inf, p)
    m2 = jnp.max(pm, axis=1, keepdims=True)
    i2 = jnp.min(jnp.where(pm >= m2, e_iota, E), axis=1, keepdims=True)
    s = m1 + m2
    topw_ref[...] = jnp.concatenate([m1 / s, m2 / s], axis=1)

    oh = ((e_iota == i1) | (e_iota == i2)).astype(jnp.bfloat16)
    CH = 256
    r0 = jax.lax.broadcasted_iota(jnp.int32, (CH, CH), 0)
    r1 = jax.lax.broadcasted_iota(jnp.int32, (CH, CH), 1)
    ltri = (r1 < r0).astype(jnp.bfloat16)
    off = jnp.zeros((1, E), jnp.float32)
    parts = []
    for c in range(T // CH):
        ohc = oh[c * CH:(c + 1) * CH]
        parts.append(jnp.dot(ltri, ohc, preferred_element_type=jnp.float32)
                     + off)
        off = off + jnp.sum(ohc.astype(jnp.float32), axis=0, keepdims=True)
    csum = jnp.concatenate(parts, axis=0)
    counts = off
    nblocks = jnp.floor((counts + (BM - 1)) * (1.0 / BM))
    padded = nblocks * BM
    c0 = jax.lax.broadcasted_iota(jnp.int32, (E, E), 0)
    c1 = jax.lax.broadcasted_iota(jnp.int32, (E, E), 1)
    estart = jnp.dot(padded, (c0 < c1).astype(jnp.float32),
                     preferred_element_type=jnp.float32)
    cumi = jnp.dot(nblocks, (c0 <= c1).astype(jnp.float32),
                   preferred_element_type=jnp.float32)
    cumi_i = cumi.astype(jnp.int32)
    nused_ref[...] = cumi_i[:, E - 1:E]
    b_iota = jax.lax.broadcasted_iota(jnp.int32, (NBLK, E), 0)
    bm = (jnp.broadcast_to(cumi_i, (NBLK, E)) <= b_iota)
    blk = jnp.sum(bm.astype(jnp.int32), axis=1, keepdims=True)
    blke_ref[...] = jnp.minimum(blk, E - 1)
    sel1 = (e_iota == i1)
    sel2 = (e_iota == i2)
    d1 = (jnp.sum(jnp.where(sel1, csum + estart, 0.0), axis=1, keepdims=True))
    d2 = (jnp.sum(jnp.where(sel2, csum + estart, 0.0), axis=1, keepdims=True))
    dest_ref[...] = jnp.concatenate([d1, d2], axis=1).astype(jnp.int32)

    usage = jnp.mean(p, axis=0, keepdims=True)
    uniform = 1.0 / E
    kl = jnp.sum(uniform * (jnp.log(uniform) - jnp.log(usage + 1e-8)))
    mu = jnp.mean(usage)
    var = jnp.sum((usage - mu) ** 2) / (E - 1)
    entropy = -jnp.sum(usage * jnp.log(usage + 1e-8))
    max_entropy = jnp.log(float(E)) * E
    total = 0.5 * kl + 0.3 * var + 0.2 * (max_entropy - entropy)
    loss_ref[...] = jnp.reshape(0.01 * total, (1, 1))


def _gating(x, G1, gb1, G2, gb2, G3, gb3):
    return pl.pallas_call(
        _gating_kernel,
        out_shape=[
            jax.ShapeDtypeStruct((T, E), jnp.float32),
            jax.ShapeDtypeStruct((1, 1), jnp.float32),
            jax.ShapeDtypeStruct((T, TOPK), jnp.float32),
            jax.ShapeDtypeStruct((T, TOPK), jnp.int32),
            jax.ShapeDtypeStruct((NBLK, 1), jnp.int32),
            jax.ShapeDtypeStruct((1, 1), jnp.int32),
            jax.ShapeDtypeStruct((T, DP), jnp.int32),
        ],
    )(x, G1, gb1.reshape(1, -1), G2, gb2.reshape(1, -1), G3,
      gb3.reshape(1, -1))


def _sc_dispatch(x, dflat):
    mesh = plsc.VectorSubcoreMesh(core_axis_name="c", subcore_axis_name="s")

    @pl.kernel(out_type=jax.ShapeDtypeStruct((NSLOT, DP), x.dtype),
               mesh=mesh,
               scratch_types=[
                   pltpu.VMEM((_BPW,), jnp.int32),
                   pltpu.VMEM((_BPW, DP), x.dtype),
                   pltpu.SemaphoreType.DMA,
               ])
    def k(x_hbm, i_hbm, o_hbm, idx_v, rows_v, sem):
        wid = jax.lax.axis_index("s") * 2 + jax.lax.axis_index("c")
        base = wid * _BPW
        src = jax.lax.rem(base, T)
        pltpu.sync_copy(i_hbm.at[pl.ds(base, _BPW)], idx_v)
        pltpu.sync_copy(x_hbm.at[pl.ds(src, _BPW)], rows_v)
        pltpu.async_copy(rows_v, o_hbm.at[idx_v], sem).wait()

    return k(x, dflat)


def _sc_collect(ys, dflat):
    OP = ys.shape[1]
    mesh = plsc.VectorSubcoreMesh(core_axis_name="c", subcore_axis_name="s")

    @pl.kernel(out_type=jax.ShapeDtypeStruct((TOPK * T, OP), ys.dtype),
               mesh=mesh,
               scratch_types=[
                   pltpu.VMEM((_BPW,), jnp.int32),
                   pltpu.VMEM((_BPW, OP), ys.dtype),
                   pltpu.SemaphoreType.DMA,
               ])
    def k(y_hbm, i_hbm, o_hbm, idx_v, rows_v, sem):
        wid = jax.lax.axis_index("s") * 2 + jax.lax.axis_index("c")
        base = wid * _BPW
        pltpu.sync_copy(i_hbm.at[pl.ds(base, _BPW)], idx_v)
        pltpu.async_copy(y_hbm.at[idx_v], rows_v, sem).wait()
        pltpu.sync_copy(rows_v, o_hbm.at[pl.ds(base, _BPW)])

    return k(ys, dflat)


def _grouped_kernel(be_ref, nu_ref, xs_ref, W1_ref, b1_ref, W2_ref, b2_ref,
                    W3_ref, b3_ref, out_ref):
    @pl.when(pl.program_id(0) < nu_ref[0])
    def _():
        xlo, xhi = _unpack_bf16_pair(xs_ref[...])
        h = (jnp.dot(xlo.astype(jnp.bfloat16), W1_ref[0, :DP],
                     preferred_element_type=jnp.float32)
             + jnp.dot(xhi.astype(jnp.bfloat16), W1_ref[0, DP:],
                       preferred_element_type=jnp.float32))
        h = jnp.maximum(h + b1_ref[0], 0.0)
        h = jnp.dot(h.astype(jnp.bfloat16), W2_ref[0],
                    preferred_element_type=jnp.float32)
        h = jnp.maximum(h + b2_ref[0], 0.0)
        y = jnp.dot(h.astype(jnp.bfloat16), W3_ref[0],
                    preferred_element_type=jnp.float32)
        y = y + b3_ref[0]
        out_ref[...] = _pack_bf16_pair(y[:, :O // 2], y[:, O // 2:])


def _grouped_mlp(blk_e, nused, xs, W1b, b1r, W2b, b2r, W3b, b3r):
    grid_spec = pltpu.PrefetchScalarGridSpec(
        num_scalar_prefetch=2,
        grid=(NBLK,),
        in_specs=[
            pl.BlockSpec((BM, DP), lambda b, be, nu: (b, 0)),
            pl.BlockSpec((1, D, H), lambda b, be, nu: (be[b], 0, 0)),
            pl.BlockSpec((1, 1, H), lambda b, be, nu: (be[b], 0, 0)),
            pl.BlockSpec((1, H, H), lambda b, be, nu: (be[b], 0, 0)),
            pl.BlockSpec((1, 1, H), lambda b, be, nu: (be[b], 0, 0)),
            pl.BlockSpec((1, H, O), lambda b, be, nu: (be[b], 0, 0)),
            pl.BlockSpec((1, 1, O), lambda b, be, nu: (be[b], 0, 0)),
        ],
        out_specs=pl.BlockSpec((BM, O // 2), lambda b, be, nu: (b, 0)),
    )
    return pl.pallas_call(
        _grouped_kernel,
        grid_spec=grid_spec,
        out_shape=jax.ShapeDtypeStruct((NSLOT, O // 2), jnp.int32),
    )(blk_e, nused, xs, W1b, b1r, W2b, b2r, W3b, b3r)


def _combine_kernel(y1_ref, y2_ref, tw_ref, out_ref):
    w1 = tw_ref[:, 0:1]
    w2 = tw_ref[:, 1:2]
    y1lo, y1hi = _unpack_bf16_pair(y1_ref[...])
    y2lo, y2hi = _unpack_bf16_pair(y2_ref[...])
    out_ref[...] = jnp.concatenate(
        [w1 * y1lo + w2 * y2lo, w1 * y1hi + w2 * y2hi], axis=1)


def _combine(ysel, topw):
    return pl.pallas_call(
        _combine_kernel,
        grid=(T // TBLK,),
        in_specs=[
            pl.BlockSpec((TBLK, O // 2), lambda i: (i, 0)),
            pl.BlockSpec((TBLK, O // 2), lambda i: (T // TBLK + i, 0)),
            pl.BlockSpec((TBLK, TOPK), lambda i: (i, 0)),
        ],
        out_specs=pl.BlockSpec((TBLK, O), lambda i: (i, 0)),
        out_shape=jax.ShapeDtypeStruct((T, O), jnp.float32),
    )(ysel, ysel, topw)


def kernel(x, W1, b1, W2, b2, W3, b3, G1, gb1, G2, gb2, G3, gb3):
    probs, loss, topw, dest, blke, nused2d, xp = _gating(
        x, G1, gb1, G2, gb2, G3, gb3)

    blk_e = blke.reshape(NBLK)
    nused = nused2d.reshape(1)
    dflat = dest.T.reshape(TOPK * T)

    xs = _sc_dispatch(xp, dflat)

    ys = _grouped_mlp(
        blk_e, nused, xs,
        W1.astype(jnp.bfloat16), b1.reshape(E, 1, H),
        W2.astype(jnp.bfloat16), b2.reshape(E, 1, H),
        W3.astype(jnp.bfloat16), b3.reshape(E, 1, O))

    ysel = _sc_collect(ys, dflat)
    out = _combine(ysel, topw)
    return out, loss.reshape(()), probs

# --- scband reference (transcript-rebuilt; emitter-appended) ---
"""Pipeline reference for scband-mo-elayer-87093346828353 (READ-ONLY COPY).

The authoritative reference and input builder live on the scoring server;
editing this copy changes nothing except your own understanding.
"""

import jax, jax.numpy as jnp
import numpy as np

T, D, H, O, E, TOPK = 2048, 1024, 1024, 1024, 8, 2

def setup_inputs(seed: int = 0):
    key = jax.random.key(seed)
    ks = jax.random.split(key, 16)
    inp = {}
    inp['x'] = jax.random.normal(ks[0], (T, D), dtype=jnp.float32)
    # expert params (stacked over E experts): 3-layer MLP D->H->H->O
    inp['W1'] = jax.random.normal(ks[1], (E, D, H), dtype=jnp.float32) * (1.0 / np.sqrt(D))
    inp['b1'] = jnp.zeros((E, H), dtype=jnp.float32)
    inp['W2'] = jax.random.normal(ks[2], (E, H, H), dtype=jnp.float32) * (1.0 / np.sqrt(H))
    inp['b2'] = jnp.zeros((E, H), dtype=jnp.float32)
    inp['W3'] = jax.random.normal(ks[3], (E, H, O), dtype=jnp.float32) * (0.1 / np.sqrt(H))
    inp['b3'] = jnp.zeros((E, O), dtype=jnp.float32)
    # gating network params: D->256->128->E
    inp['G1'] = jax.random.normal(ks[4], (D, 256), dtype=jnp.float32) * (0.1 / np.sqrt(D))
    inp['gb1'] = jnp.zeros((256,), dtype=jnp.float32)
    inp['G2'] = jax.random.normal(ks[5], (256, 128), dtype=jnp.float32) * (0.1 / np.sqrt(256))
    inp['gb2'] = jnp.zeros((128,), dtype=jnp.float32)
    inp['G3'] = jax.random.normal(ks[6], (128, E), dtype=jnp.float32) * (0.1 / np.sqrt(128))
    inp['gb3'] = jnp.zeros((E,), dtype=jnp.float32)
    return inp

def reference(x, W1, b1, W2, b2, W3, b3, G1, gb1, G2, gb2, G3, gb3):
    # gating network (eval mode: no noise, no dropout)
    g = jax.nn.relu(x @ G1 + gb1)
    g = jax.nn.relu(g @ G2 + gb2)
    gate_logits = g @ G3 + gb3
    gate_probs = jax.nn.softmax(gate_logits, axis=1)              # [T, E]
    top_k_probs, top_k_idx = jax.lax.top_k(gate_probs, TOPK)      # [T, k]
    top_k_probs = top_k_probs / jnp.sum(top_k_probs, axis=1, keepdims=True)
    # run every expert densely over all tokens (math-equivalent to per-token dispatch)
    h1 = jax.nn.relu(jnp.einsum('td,edh->eth', x, W1) + b1[:, None, :])
    h2 = jax.nn.relu(jnp.einsum('eth,ehk->etk', h1, W2) + b2[:, None, :])
    out_all = jnp.einsum('etk,eko->eto', h2, W3) + b3[:, None, :]  # [E, T, O]
    tok = jnp.arange(x.shape[0])[:, None]                          # [T, 1]
    sel = out_all[top_k_idx, tok]                                  # [T, k, O]
    final_output = jnp.sum(sel * top_k_probs[..., None], axis=1)   # [T, O]
    # load balancing loss
    expert_usage = jnp.mean(gate_probs, axis=0)                    # [E]
    uniform = 1.0 / E
    kl_loss = jnp.sum(uniform * (jnp.log(uniform) - jnp.log(expert_usage + 1e-08)))
    variance_loss = jnp.var(expert_usage, ddof=1)
    entropy = -jnp.sum(expert_usage * jnp.log(expert_usage + 1e-08))
    max_entropy = -jnp.log(1.0 / E) * E
    entropy_loss = max_entropy - entropy
    total = 0.5 * kl_loss + 0.3 * variance_loss + 0.2 * entropy_loss
    load_balancing_loss = 0.01 * total
    return final_output, load_balancing_loss, gate_probs

if __name__ == "__main__":
    import jax
    _d = setup_inputs()
    print(jax.jit(kernel)(*tuple(_d.values())))

</pallas_src>

<mosaic_0001>
#map = affine_map<(d0, d1) -> (0, 0)>
#map1 = affine_map<(d0, d1) -> (0)>
module attributes {stable_mosaic.version = 14 : i64} {
  func.func @k(%arg0: i32, %arg1: i32, %arg2: memref<5888x512xi32, #tpu.memory_space<hbm>>, %arg3: memref<4096xi32, #tpu.memory_space<hbm>>, %arg4: memref<4096x512xi32, #tpu.memory_space<hbm>>, %arg5: memref<128xi32, #tpu.memory_space<vmem>>, %arg6: memref<128x512xi32, #tpu.memory_space<vmem>>, %arg7: memref<!tpu.dma_semaphore, #tpu.memory_space<semaphore_mem>>) attributes {dimension_semantics = [#tpu.dimension_semantics<core_parallel>, #tpu.dimension_semantics<subcore_parallel>], iteration_bounds = array<i64: 2, 16>, scalar_prefetch = 0 : i64, scratch_operands = 3 : i64, tpu.core_type = #tpu.core_type<sc_vector_subcore>, window_params = [{transform_indices = #map}, {transform_indices = #map1}, {transform_indices = #map}]} {
    %mul3A = arith.constant 2 : i32
    %mul3A_0 = arith.muli %arg1, %mul3A : i32
    %add3A = arith.addi %mul3A_0, %arg0 : i32
    %mul3A_1 = arith.constant 128 : i32
    %mul3A_2 = arith.muli %add3A, %mul3A_1 : i32
    "tpu.region"() ({
      %run_scoped3A = tpu.sem_alloc : memref<!tpu.dma_semaphore, #tpu.memory_space<semaphore_mem>>
      %dma_start3A_7 = tpu.memref_slice %arg3[%mul3A_2] : memref<4096xi32, #tpu.memory_space<hbm>> -> memref<128xi32, #tpu.memory_space<hbm>>
      %dma_start3A_8 = tpu.memref_slice %arg3[%mul3A_2] : memref<4096xi32, #tpu.memory_space<hbm>> -> memref<128xi32, #tpu.memory_space<hbm>>
      tpu.enqueue_dma source(%dma_start3A_8 : memref<128xi32, #tpu.memory_space<hbm>>) target(%arg5 : memref<128xi32, #tpu.memory_space<vmem>>) target_semaphore(%run_scoped3A : memref<!tpu.dma_semaphore, #tpu.memory_space<semaphore_mem>>)
      %dma_wait3A_9 = tpu.memref_slice %arg3[%mul3A_2] : memref<4096xi32, #tpu.memory_space<hbm>> -> memref<128xi32, #tpu.memory_space<hbm>>
      %dma_wait3A_10 = tpu.memref_slice %arg3[%mul3A_2] : memref<4096xi32, #tpu.memory_space<hbm>> -> memref<128xi32, #tpu.memory_space<hbm>>
      tpu.wait_dma2 semaphore(%run_scoped3A : memref<!tpu.dma_semaphore, #tpu.memory_space<semaphore_mem>>) src(%dma_wait3A_10 : memref<128xi32, #tpu.memory_space<hbm>>) dst(%arg5 : memref<128xi32, #tpu.memory_space<vmem>>)
      tpu.yield
    }) : () -> ()
    %dma_start3A = arith.constant 0 : i32
    %dma_start3A_3 = arith.constant 0 : i32
    %dma_start3A_4 = tpu.memref_slice %arg2[%dma_start3A, %dma_start3A_3] : memref<5888x512xi32, #tpu.memory_space<hbm>> -> memref<5888x512xi32, #tpu.memory_space<hbm>>
    tpu.enqueue_indirect_dma source(%dma_start3A_4 : memref<5888x512xi32, #tpu.memory_space<hbm>>) target(%arg6 : memref<128x512xi32, #tpu.memory_space<vmem>>) offsets(%arg5 : memref<128xi32, #tpu.memory_space<vmem>>) semaphore(%arg7 : memref<!tpu.dma_semaphore, #tpu.memory_space<semaphore_mem>>)
    %dma_wait3A = arith.constant 0 : i32
    %dma_wait3A_5 = arith.constant 0 : i32
    %dma_wait3A_6 = tpu.memref_slice %arg2[%dma_wait3A, %dma_wait3A_5] : memref<5888x512xi32, #tpu.memory_space<hbm>> -> memref<5888x512xi32, #tpu.memory_space<hbm>>
    tpu.wait_indirect_dma semaphore(%arg7 : memref<!tpu.dma_semaphore, #tpu.memory_space<semaphore_mem>>) src(%dma_wait3A_6 : memref<5888x512xi32, #tpu.memory_space<hbm>>) dst(%arg6 : memref<128x512xi32, #tpu.memory_space<vmem>>)
    "tpu.region"() ({
      %run_scoped3A = tpu.sem_alloc : memref<!tpu.dma_semaphore, #tpu.memory_space<semaphore_mem>>
      %dma_start3A_7 = arith.constant 0 : i32
      %dma_start3A_8 = tpu.memref_slice %arg4[%mul3A_2, %dma_start3A_7] : memref<4096x512xi32, #tpu.memory_space<hbm>> -> memref<128x512xi32, #tpu.memory_space<hbm>>
      %dma_start3A_9 = arith.constant 0 : i32
      %dma_start3A_10 = tpu.memref_slice %arg4[%mul3A_2, %dma_start3A_9] : memref<4096x512xi32, #tpu.memory_space<hbm>> -> memref<128x512xi32, #tpu.memory_space<hbm>>
      tpu.enqueue_dma source(%arg6 : memref<128x512xi32, #tpu.memory_space<vmem>>) target(%dma_start3A_10 : memref<128x512xi32, #tpu.memory_space<hbm>>) target_semaphore(%run_scoped3A : memref<!tpu.dma_semaphore, #tpu.memory_space<semaphore_mem>>)
      %dma_wait3A_11 = arith.constant 0 : i32
      %dma_wait3A_12 = tpu.memref_slice %arg4[%mul3A_2, %dma_wait3A_11] : memref<4096x512xi32, #tpu.memory_space<hbm>> -> memref<128x512xi32, #tpu.memory_space<hbm>>
      %dma_wait3A_13 = arith.constant 0 : i32
      %dma_wait3A_14 = tpu.memref_slice %arg4[%mul3A_2, %dma_wait3A_13] : memref<4096x512xi32, #tpu.memory_space<hbm>> -> memref<128x512xi32, #tpu.memory_space<hbm>>
      tpu.wait_dma2 semaphore(%run_scoped3A : memref<!tpu.dma_semaphore, #tpu.memory_space<semaphore_mem>>) src(%arg6 : memref<128x512xi32, #tpu.memory_space<vmem>>) dst(%dma_wait3A_14 : memref<128x512xi32, #tpu.memory_space<hbm>>)
      tpu.yield
    }) : () -> ()
    return
  }
}

#map = affine_map<(d0, d1) -> (0, 0)>
#map1 = affine_map<(d0, d1) -> (0)>
module attributes {stable_mosaic.version = 14 : i64} {
  func.func @k(%arg0: i32, %arg1: i32, %arg2: memref<2048x512xi32, #tpu.memory_space<hbm>>, %arg3: memref<4096xi32, #tpu.memory_space<hbm>>, %arg4: memref<5888x512xi32, #tpu.memory_space<hbm>>, %arg5: memref<128xi32, #tpu.memory_space<vmem>>, %arg6: memref<128x512xi32, #tpu.memory_space<vmem>>, %arg7: memref<!tpu.dma_semaphore, #tpu.memory_space<semaphore_mem>>) attributes {dimension_semantics = [#tpu.dimension_semantics<core_parallel>, #tpu.dimension_semantics<subcore_parallel>], iteration_bounds = array<i64: 2, 16>, scalar_prefetch = 0 : i64, scratch_operands = 3 : i64, tpu.core_type = #tpu.core_type<sc_vector_subcore>, window_params = [{transform_indices = #map}, {transform_indices = #map1}, {transform_indices = #map}]} {
    %mul3A = arith.constant 2 : i32
    %mul3A_0 = arith.muli %arg1, %mul3A : i32
    %add3A = arith.addi %mul3A_0, %arg0 : i32
    %mul3A_1 = arith.constant 128 : i32
    %mul3A_2 = arith.muli %add3A, %mul3A_1 : i32
    %rem3A = arith.constant 2048 : i32
    %rem3A_3 = arith.remsi %mul3A_2, %rem3A : i32
    "tpu.region"() ({
      %run_scoped3A = tpu.sem_alloc : memref<!tpu.dma_semaphore, #tpu.memory_space<semaphore_mem>>
      %dma_start3A_8 = tpu.memref_slice %arg3[%mul3A_2] : memref<4096xi32, #tpu.memory_space<hbm>> -> memref<128xi32, #tpu.memory_space<hbm>>
      %dma_start3A_9 = tpu.memref_slice %arg3[%mul3A_2] : memref<4096xi32, #tpu.memory_space<hbm>> -> memref<128xi32, #tpu.memory_space<hbm>>
      tpu.enqueue_dma source(%dma_start3A_9 : memref<128xi32, #tpu.memory_space<hbm>>) target(%arg5 : memref<128xi32, #tpu.memory_space<vmem>>) target_semaphore(%run_scoped3A : memref<!tpu.dma_semaphore, #tpu.memory_space<semaphore_mem>>)
      %dma_wait3A_10 = tpu.memref_slice %arg3[%mul3A_2] : memref<4096xi32, #tpu.memory_space<hbm>> -> memref<128xi32, #tpu.memory_space<hbm>>
      %dma_wait3A_11 = tpu.memref_slice %arg3[%mul3A_2] : memref<4096xi32, #tpu.memory_space<hbm>> -> memref<128xi32, #tpu.memory_space<hbm>>
      tpu.wait_dma2 semaphore(%run_scoped3A : memref<!tpu.dma_semaphore, #tpu.memory_space<semaphore_mem>>) src(%dma_wait3A_11 : memref<128xi32, #tpu.memory_space<hbm>>) dst(%arg5 : memref<128xi32, #tpu.memory_space<vmem>>)
      tpu.yield
    }) : () -> ()
    "tpu.region"() ({
      %run_scoped3A = tpu.sem_alloc : memref<!tpu.dma_semaphore, #tpu.memory_space<semaphore_mem>>
      %dma_start3A_8 = arith.constant 0 : i32
      %dma_start3A_9 = tpu.memref_slice %arg2[%rem3A_3, %dma_start3A_8] : memref<2048x512xi32, #tpu.memory_space<hbm>> -> memref<128x512xi32, #tpu.memory_space<hbm>>
      %dma_start3A_10 = arith.constant 0 : i32
      %dma_start3A_11 = tpu.memref_slice %arg2[%rem3A_3, %dma_start3A_10] : memref<2048x512xi32, #tpu.memory_space<hbm>> -> memref<128x512xi32, #tpu.memory_space<hbm>>
      tpu.enqueue_dma source(%dma_start3A_11 : memref<128x512xi32, #tpu.memory_space<hbm>>) target(%arg6 : memref<128x512xi32, #tpu.memory_space<vmem>>) target_semaphore(%run_scoped3A : memref<!tpu.dma_semaphore, #tpu.memory_space<semaphore_mem>>)
      %dma_wait3A_12 = arith.constant 0 : i32
      %dma_wait3A_13 = tpu.memref_slice %arg2[%rem3A_3, %dma_wait3A_12] : memref<2048x512xi32, #tpu.memory_space<hbm>> -> memref<128x512xi32, #tpu.memory_space<hbm>>
      %dma_wait3A_14 = arith.constant 0 : i32
      %dma_wait3A_15 = tpu.memref_slice %arg2[%rem3A_3, %dma_wait3A_14] : memref<2048x512xi32, #tpu.memory_space<hbm>> -> memref<128x512xi32, #tpu.memory_space<hbm>>
      tpu.wait_dma2 semaphore(%run_scoped3A : memref<!tpu.dma_semaphore, #tpu.memory_space<semaphore_mem>>) src(%dma_wait3A_15 : memref<128x512xi32, #tpu.memory_space<hbm>>) dst(%arg6 : memref<128x512xi32, #tpu.memory_space<vmem>>)
      tpu.yield
    }) : () -> ()
    %dma_start3A = arith.constant 0 : i32
    %dma_start3A_4 = arith.constant 0 : i32
    %dma_start3A_5 = tpu.memref_slice %arg4[%dma_start3A, %dma_start3A_4] : memref<5888x512xi32, #tpu.memory_space<hbm>> -> memref<5888x512xi32, #tpu.memory_space<hbm>>
    tpu.enqueue_indirect_dma source(%arg6 : memref<128x512xi32, #tpu.memory_space<vmem>>) target(%dma_start3A_5 : memref<5888x512xi32, #tpu.memory_space<hbm>>) offsets(%arg5 : memref<128xi32, #tpu.memory_space<vmem>>) semaphore(%arg7 : memref<!tpu.dma_semaphore, #tpu.memory_space<semaphore_mem>>)
    %dma_wait3A = arith.constant 0 : i32
    %dma_wait3A_6 = arith.constant 0 : i32
    %dma_wait3A_7 = tpu.memref_slice %arg4[%dma_wait3A, %dma_wait3A_6] : memref<5888x512xi32, #tpu.memory_space<hbm>> -> memref<5888x512xi32, #tpu.memory_space<hbm>>
    tpu.wait_indirect_dma semaphore(%arg7 : memref<!tpu.dma_semaphore, #tpu.memory_space<semaphore_mem>>) src(%arg6 : memref<128x512xi32, #tpu.memory_space<vmem>>) dst(%dma_wait3A_7 : memref<5888x512xi32, #tpu.memory_space<hbm>>)
    return
  }
}

module attributes {stable_mosaic.version = 14 : i64} {
  func.func @_gating_kernel(%arg0: memref<2048x1024xf32, #tpu.memory_space<vmem>>, %arg1: memref<1024x256xf32, #tpu.memory_space<vmem>>, %arg2: memref<1x256xf32, #tpu.memory_space<vmem>>, %arg3: memref<256x128xf32, #tpu.memory_space<vmem>>, %arg4: memref<1x128xf32, #tpu.memory_space<vmem>>, %arg5: memref<128x8xf32, #tpu.memory_space<vmem>>, %arg6: memref<1x8xf32, #tpu.memory_space<vmem>>, %arg7: memref<2048x8xf32, #tpu.memory_space<vmem>>, %arg8: memref<1x1xf32, #tpu.memory_space<vmem>>, %arg9: memref<2048x2xf32, #tpu.memory_space<vmem>>, %arg10: memref<2048x2xi32, #tpu.memory_space<vmem>>, %arg11: memref<23x1xi32, #tpu.memory_space<vmem>>, %arg12: memref<1x1xi32, #tpu.memory_space<vmem>>, %arg13: memref<2048x512xi32, #tpu.memory_space<vmem>>) attributes {dimension_semantics = [], scalar_prefetch = 0 : i64, scratch_operands = 0 : i64, tpu.core_type = #tpu.core_type<tc>} {
    %get3A = arith.constant 0 : index
    %get3A_0 = arith.constant 0 : index
    %get3A_1 = vector.load %arg0[%get3A, %get3A_0] : memref<2048x1024xf32, #tpu.memory_space<vmem>>, vector<2048x1024xf32>
    %slice3A = vector.extract_strided_slice %get3A_1 {offsets = [0, 0], sizes = [2048, 512], strides = [1, 1]} : vector<2048x1024xf32> to vector<2048x512xf32>
    %slice3A_2 = vector.extract_strided_slice %get3A_1 {offsets = [0, 512], sizes = [2048, 512], strides = [1, 1]} : vector<2048x1024xf32> to vector<2048x512xf32>
    %bitcast_convert_type3A = tpu.bitcast %slice3A : vector<2048x512xf32> -> vector<2048x512xi32>
    %add3A = arith.constant 32767 : i32
    %add3A_3 = vector.broadcast %add3A : i32 to vector<2048x512xi32>
    %add3A_4 = arith.addi %bitcast_convert_type3A, %add3A_3 : vector<2048x512xi32>
    %shift_right_logical3A = arith.constant 16 : i32
    %shift_right_logical3A_5 = vector.broadcast %shift_right_logical3A : i32 to vector<2048x512xi32>
    %shift_right_logical3A_6 = arith.shrui %bitcast_convert_type3A, %shift_right_logical3A_5 : vector<2048x512xi32>
    %and3A = arith.constant 1 : i32
    %and3A_7 = vector.broadcast %and3A : i32 to vector<2048x512xi32>
    %and3A_8 = arith.andi %shift_right_logical3A_6, %and3A_7 : vector<2048x512xi32>
    %add3A_9 = arith.addi %add3A_4, %and3A_8 : vector<2048x512xi32>
    %bitcast_convert_type3A_10 = tpu.bitcast %slice3A_2 : vector<2048x512xf32> -> vector<2048x512xi32>
    %add3A_11 = arith.constant 32767 : i32
    %add3A_12 = vector.broadcast %add3A_11 : i32 to vector<2048x512xi32>
    %add3A_13 = arith.addi %bitcast_convert_type3A_10, %add3A_12 : vector<2048x512xi32>
    %shift_right_logical3A_14 = arith.constant 16 : i32
    %shift_right_logical3A_15 = vector.broadcast %shift_right_logical3A_14 : i32 to vector<2048x512xi32>
    %shift_right_logical3A_16 = arith.shrui %bitcast_convert_type3A_10, %shift_right_logical3A_15 : vector<2048x512xi32>
    %and3A_17 = arith.constant 1 : i32
    %and3A_18 = vector.broadcast %and3A_17 : i32 to vector<2048x512xi32>
    %and3A_19 = arith.andi %shift_right_logical3A_16, %and3A_18 : vector<2048x512xi32>
    %add3A_20 = arith.addi %add3A_13, %and3A_19 : vector<2048x512xi32>
    %shift_right_logical3A_21 = arith.constant 16 : i32
    %shift_right_logical3A_22 = vector.broadcast %shift_right_logical3A_21 : i32 to vector<2048x512xi32>
    %shift_right_logical3A_23 = arith.shrui %add3A_9, %shift_right_logical3A_22 : vector<2048x512xi32>
    %and3A_24 = arith.constant -65536 : i32
    %and3A_25 = vector.broadcast %and3A_24 : i32 to vector<2048x512xi32>
    %and3A_26 = arith.andi %add3A_20, %and3A_25 : vector<2048x512xi32>
    %or3A = arith.ori %shift_right_logical3A_23, %and3A_26 : vector<2048x512xi32>
    %bitcast_convert_type3A_27 = tpu.bitcast %or3A : vector<2048x512xi32> -> vector<2048x512xi32>
    %swap3A = arith.constant 0 : index
    %swap3A_28 = arith.constant 0 : index
    %swap3A_29 = vector.load %arg13[%swap3A, %swap3A_28] : memref<2048x512xi32, #tpu.memory_space<vmem>>, vector<2048x512xi32>
    tpu.vector_store %arg13[%swap3A, %swap3A_28], %bitcast_convert_type3A_27 {strides = array<i32>} : memref<2048x512xi32, #tpu.memory_space<vmem>>, vector<2048x512xi32>,
    %get3A_30 = arith.constant 0 : index
    %get3A_31 = arith.constant 0 : index
    %get3A_32 = vector.load %arg1[%get3A_30, %get3A_31] : memref<1024x256xf32, #tpu.memory_space<vmem>>, vector<1024x256xf32>
    %dot_general3A = arith.constant dense<0.000000e+00> : vector<2048x256xf32>
    %dot_general3A_33 = tpu.matmul %get3A_1, %get3A_32, %dot_general3A {dimension_numbers = #tpu.dot_dimension_numbers<[1], [0], [0], [1], [0, 0, 1, 1], [], []>, transpose_lhs_hint = false} : vector<2048x1024xf32>, vector<1024x256xf32>, vector<2048x256xf32> -> vector<2048x256xf32>
    %get3A_34 = arith.constant 0 : index
    %get3A_35 = arith.constant 0 : index
    %get3A_36 = vector.load %arg2[%get3A_34, %get3A_35] : memref<1x256xf32, #tpu.memory_space<vmem>>, vector<1x256xf32>
    %add3A_37 = vector.broadcast %get3A_36 : vector<1x256xf32> to vector<2048x256xf32>
    %add3A_38 = arith.addf %dot_general3A_33, %add3A_37 : vector<2048x256xf32>
    %max3A = arith.constant 0.000000e+00 : f32
    %max3A_39 = vector.broadcast %max3A : f32 to vector<2048x256xf32>
    %max3A_40 = arith.maximumf %add3A_38, %max3A_39 : vector<2048x256xf32>
    %get3A_41 = arith.constant 0 : index
    %get3A_42 = arith.constant 0 : index
    %get3A_43 = vector.load %arg3[%get3A_41, %get3A_42] : memref<256x128xf32, #tpu.memory_space<vmem>>, vector<256x128xf32>
    %dot_general3A_44 = arith.constant dense<0.000000e+00> : vector<2048x128xf32>
    %dot_general3A_45 = tpu.matmul %max3A_40, %get3A_43, %dot_general3A_44 {dimension_numbers = #tpu.dot_dimension_numbers<[1], [0], [0], [1], [0, 0, 1, 1], [], []>, transpose_lhs_hint = false} : vector<2048x256xf32>, vector<256x128xf32>, vector<2048x128xf32> -> vector<2048x128xf32>
    %get3A_46 = arith.constant 0 : index
    %get3A_47 = arith.constant 0 : index
    %get3A_48 = vector.load %arg4[%get3A_46, %get3A_47] : memref<1x128xf32, #tpu.memory_space<vmem>>, vector<1x128xf32>
    %add3A_49 = vector.broadcast %get3A_48 : vector<1x128xf32> to vector<2048x128xf32>
    %add3A_50 = arith.addf %dot_general3A_45, %add3A_49 : vector<2048x128xf32>
    %max3A_51 = arith.constant 0.000000e+00 : f32
    %max3A_52 = vector.broadcast %max3A_51 : f32 to vector<2048x128xf32>
    %max3A_53 = arith.maximumf %add3A_50, %max3A_52 : vector<2048x128xf32>
    %get3A_54 = arith.constant 0 : index
    %get3A_55 = arith.constant 0 : index
    %get3A_56 = vector.load %arg5[%get3A_54, %get3A_55] : memref<128x8xf32, #tpu.memory_space<vmem>>, vector<128x8xf32>
    %dot_general3A_57 = arith.constant dense<0.000000e+00> : vector<2048x8xf32>
    %dot_general3A_58 = tpu.matmul %max3A_53, %get3A_56, %dot_general3A_57 {dimension_numbers = #tpu.dot_dimension_numbers<[1], [0], [0], [1], [0, 0, 1, 1], [], []>, transpose_lhs_hint = false} : vector<2048x128xf32>, vector<128x8xf32>, vector<2048x8xf32> -> vector<2048x8xf32>
    %get3A_59 = arith.constant 0 : index
    %get3A_60 = arith.constant 0 : index
    %get3A_61 = vector.load %arg6[%get3A_59, %get3A_60] : memref<1x8xf32, #tpu.memory_space<vmem>>, vector<1x8xf32>
    %add3A_62 = vector.broadcast %get3A_61 : vector<1x8xf32> to vector<2048x8xf32>
    %add3A_63 = arith.addf %dot_general3A_58, %add3A_62 : vector<2048x8xf32>
    %reduce_max3A = arith.constant dense<0xFF800000> : vector<2048xf32>
    %reduce_max3A_64 = vector.multi_reduction <maximumf>, %add3A_63, %reduce_max3A [1] : vector<2048x8xf32> to vector<2048xf32>
    %broadcast_in_dim3A = vector.shape_cast %reduce_max3A_64 : vector<2048xf32> to vector<2048x1xf32>
    %sub3A = vector.broadcast %broadcast_in_dim3A : vector<2048x1xf32> to vector<2048x8xf32>
    %sub3A_65 = arith.subf %add3A_63, %sub3A : vector<2048x8xf32>
    %exp3A = math.exp %sub3A_65 : vector<2048x8xf32>
    %reduce_sum3A = arith.constant dense<0.000000e+00> : vector<2048xf32>
    %reduce_sum3A_66 = vector.multi_reduction <add>, %exp3A, %reduce_sum3A [1] : vector<2048x8xf32> to vector<2048xf32>
    %broadcast_in_dim3A_67 = vector.shape_cast %reduce_sum3A_66 : vector<2048xf32> to vector<2048x1xf32>
    %div3A = vector.broadcast %broadcast_in_dim3A_67 : vector<2048x1xf32> to vector<2048x8xf32>
    %div3A_68 = arith.divf %exp3A, %div3A : vector<2048x8xf32>
    %swap3A_69 = arith.constant 0 : index
    %swap3A_70 = arith.constant 0 : index
    %swap3A_71 = vector.load %arg7[%swap3A_69, %swap3A_70] : memref<2048x8xf32, #tpu.memory_space<vmem>>, vector<2048x8xf32>
    tpu.vector_store %arg7[%swap3A_69, %swap3A_70], %div3A_68 {strides = array<i32>} : memref<2048x8xf32, #tpu.memory_space<vmem>>, vector<2048x8xf32>,
    %iota3A = tpu.iota {dimensions = array<i32: 1>} : vector<2048x8xi32>
    %reduce_max3A_72 = arith.constant dense<0xFF800000> : vector<2048xf32>
    %reduce_max3A_73 = vector.multi_reduction <maximumf>, %div3A_68, %reduce_max3A_72 [1] : vector<2048x8xf32> to vector<2048xf32>
    %broadcast_in_dim3A_74 = vector.shape_cast %reduce_max3A_73 : vector<2048xf32> to vector<2048x1xf32>
    %ge3A = vector.broadcast %broadcast_in_dim3A_74 : vector<2048x1xf32> to vector<2048x8xf32>
    %ge3A_75 = arith.cmpf oge, %div3A_68, %ge3A : vector<2048x8xf32>
    %jit3A = arith.constant 8 : i32
    %broadcast_in_dim3A_76 = vector.broadcast %jit3A : i32 to vector<2048x8xi32>
    %select_n3A = arith.select %ge3A_75, %iota3A, %broadcast_in_dim3A_76 : vector<2048x8xi1>, vector<2048x8xi32>
    %reduce_min3A = arith.constant dense<2147483647> : vector<2048xi32>
    %reduce_min3A_77 = vector.multi_reduction <minsi>, %select_n3A, %reduce_min3A [1] : vector<2048x8xi32> to vector<2048xi32>
    %broadcast_in_dim3A_78 = vector.shape_cast %reduce_min3A_77 : vector<2048xi32> to vector<2048x1xi32>
    %eq3A = vector.broadcast %broadcast_in_dim3A_78 : vector<2048x1xi32> to vector<2048x8xi32>
    %eq3A_79 = arith.cmpi eq, %iota3A, %eq3A : vector<2048x8xi32>
    %jit3A_80 = arith.constant 0xFF800000 : f32
    %broadcast_in_dim3A_81 = vector.broadcast %jit3A_80 : f32 to vector<2048x8xf32>
    %select_n3A_82 = arith.select %eq3A_79, %broadcast_in_dim3A_81, %div3A_68 : vector<2048x8xi1>, vector<2048x8xf32>
    %reduce_max3A_83 = arith.constant dense<0xFF800000> : vector<2048xf32>
    %reduce_max3A_84 = vector.multi_reduction <maximumf>, %select_n3A_82, %reduce_max3A_83 [1] : vector<2048x8xf32> to vector<2048xf32>
    %broadcast_in_dim3A_85 = vector.shape_cast %reduce_max3A_84 : vector<2048xf32> to vector<2048x1xf32>
    %ge3A_86 = vector.broadcast %broadcast_in_dim3A_85 : vector<2048x1xf32> to vector<2048x8xf32>
    %ge3A_87 = arith.cmpf oge, %select_n3A_82, %ge3A_86 : vector<2048x8xf32>
    %jit3A_88 = arith.constant 8 : i32
    %broadcast_in_dim3A_89 = vector.broadcast %jit3A_88 : i32 to vector<2048x8xi32>
    %select_n3A_90 = arith.select %ge3A_87, %iota3A, %broadcast_in_dim3A_89 : vector<2048x8xi1>, vector<2048x8xi32>
    %reduce_min3A_91 = arith.constant dense<2147483647> : vector<2048xi32>
    %reduce_min3A_92 = vector.multi_reduction <minsi>, %select_n3A_90, %reduce_min3A_91 [1] : vector<2048x8xi32> to vector<2048xi32>
    %broadcast_in_dim3A_93 = vector.shape_cast %reduce_min3A_92 : vector<2048xi32> to vector<2048x1xi32>
    %add3A_94 = arith.addf %broadcast_in_dim3A_74, %broadcast_in_dim3A_85 : vector<2048x1xf32>
    %div3A_95 = arith.divf %broadcast_in_dim3A_74, %add3A_94 : vector<2048x1xf32>
    %div3A_96 = arith.divf %broadcast_in_dim3A_85, %add3A_94 : vector<2048x1xf32>
    %concatenate3A = tpu.concatenate %div3A_95, %div3A_96 in 1 : vector<2048x1xf32>, vector<2048x1xf32> -> vector<2048x2xf32>
    %swap3A_97 = arith.constant 0 : index
    %swap3A_98 = arith.constant 0 : index
    %swap3A_99 = vector.load %arg9[%swap3A_97, %swap3A_98] : memref<2048x2xf32, #tpu.memory_space<vmem>>, vector<2048x2xf32>
    tpu.vector_store %arg9[%swap3A_97, %swap3A_98], %concatenate3A {strides = array<i32>} : memref<2048x2xf32, #tpu.memory_space<vmem>>, vector<2048x2xf32>,
    %eq3A_100 = vector.broadcast %broadcast_in_dim3A_78 : vector<2048x1xi32> to vector<2048x8xi32>
    %eq3A_101 = arith.cmpi eq, %iota3A, %eq3A_100 : vector<2048x8xi32>
    %eq3A_102 = vector.broadcast %broadcast_in_dim3A_93 : vector<2048x1xi32> to vector<2048x8xi32>
    %eq3A_103 = arith.cmpi eq, %iota3A, %eq3A_102 : vector<2048x8xi32>
    %or3A_104 = arith.ori %eq3A_101, %eq3A_103 : vector<2048x8xi1>
    %convert_element_type3A = arith.extui %or3A_104 : vector<2048x8xi1> to vector<2048x8xi32>
    %convert_element_type3A_105 = arith.sitofp %convert_element_type3A : vector<2048x8xi32> to vector<2048x8xf32>
    %convert_element_type3A_106 = arith.truncf %convert_element_type3A_105 : vector<2048x8xf32> to vector<2048x8xbf16>
    %iota3A_107 = tpu.iota {dimensions = array<i32: 0>} : vector<256x256xi32>
    %iota3A_108 = tpu.iota {dimensions = array<i32: 1>} : vector<256x256xi32>
    %lt3A = arith.cmpi slt, %iota3A_108, %iota3A_107 : vector<256x256xi32>
    %convert_element_type3A_109 = arith.extui %lt3A : vector<256x256xi1> to vector<256x256xi32>
    %convert_element_type3A_110 = arith.sitofp %convert_element_type3A_109 : vector<256x256xi32> to vector<256x256xf32>
    %convert_element_type3A_111 = arith.truncf %convert_element_type3A_110 : vector<256x256xf32> to vector<256x256xbf16>
    %broadcast_in_dim3A_112 = arith.constant 0.000000e+00 : f32
    %broadcast_in_dim3A_113 = vector.broadcast %broadcast_in_dim3A_112 : f32 to vector<1x8xf32>
    %slice3A_114 = vector.extract_strided_slice %convert_element_type3A_106 {offsets = [0, 0], sizes = [256, 8], strides = [1, 1]} : vector<2048x8xbf16> to vector<256x8xbf16>
    %dot_general3A_115 = arith.constant dense<0.000000e+00> : vector<256x8xf32>
    %dot_general3A_116 = tpu.matmul %convert_element_type3A_111, %slice3A_114, %dot_general3A_115 {dimension_numbers = #tpu.dot_dimension_numbers<[1], [0], [0], [1], [0, 0, 1, 1], [], []>, transpose_lhs_hint = false} : vector<256x256xbf16>, vector<256x8xbf16>, vector<256x8xf32> -> vector<256x8xf32>
    %add3A_117 = vector.broadcast %broadcast_in_dim3A_113 : vector<1x8xf32> to vector<256x8xf32>
    %add3A_118 = arith.addf %dot_general3A_116, %add3A_117 : vector<256x8xf32>
    %convert_element_type3A_119 = arith.extf %slice3A_114 : vector<256x8xbf16> to vector<256x8xf32>
    %reduce_sum3A_120 = arith.constant dense<0.000000e+00> : vector<8xf32>
    %reduce_sum3A_121 = vector.multi_reduction <add>, %convert_element_type3A_119, %reduce_sum3A_120 [0] : vector<256x8xf32> to vector<8xf32>
    %broadcast_in_dim3A_122 = vector.shape_cast %reduce_sum3A_121 : vector<8xf32> to vector<1x8xf32>
    %add3A_123 = arith.addf %broadcast_in_dim3A_113, %broadcast_in_dim3A_122 : vector<1x8xf32>
    %slice3A_124 = vector.extract_strided_slice %convert_element_type3A_106 {offsets = [256, 0], sizes = [256, 8], strides = [1, 1]} : vector<2048x8xbf16> to vector<256x8xbf16>
    %dot_general3A_125 = arith.constant dense<0.000000e+00> : vector<256x8xf32>
    %dot_general3A_126 = tpu.matmul %convert_element_type3A_111, %slice3A_124, %dot_general3A_125 {dimension_numbers = #tpu.dot_dimension_numbers<[1], [0], [0], [1], [0, 0, 1, 1], [], []>, transpose_lhs_hint = false} : vector<256x256xbf16>, vector<256x8xbf16>, vector<256x8xf32> -> vector<256x8xf32>
    %add3A_127 = vector.broadcast %add3A_123 : vector<1x8xf32> to vector<256x8xf32>
    %add3A_128 = arith.addf %dot_general3A_126, %add3A_127 : vector<256x8xf32>
    %convert_element_type3A_129 = arith.extf %slice3A_124 : vector<256x8xbf16> to vector<256x8xf32>
    %reduce_sum3A_130 = arith.constant dense<0.000000e+00> : vector<8xf32>
    %reduce_sum3A_131 = vector.multi_reduction <add>, %convert_element_type3A_129, %reduce_sum3A_130 [0] : vector<256x8xf32> to vector<8xf32>
    %broadcast_in_dim3A_132 = vector.shape_cast %reduce_sum3A_131 : vector<8xf32> to vector<1x8xf32>
    %add3A_133 = arith.addf %add3A_123, %broadcast_in_dim3A_132 : vector<1x8xf32>
    %slice3A_134 = vector.extract_strided_slice %convert_element_type3A_106 {offsets = [512, 0], sizes = [256, 8], strides = [1, 1]} : vector<2048x8xbf16> to vector<256x8xbf16>
    %dot_general3A_135 = arith.constant dense<0.000000e+00> : vector<256x8xf32>
    %dot_general3A_136 = tpu.matmul %convert_element_type3A_111, %slice3A_134, %dot_general3A_135 {dimension_numbers = #tpu.dot_dimension_numbers<[1], [0], [0], [1], [0, 0, 1, 1], [], []>, transpose_lhs_hint = false} : vector<256x256xbf16>, vector<256x8xbf16>, vector<256x8xf32> -> vector<256x8xf32>
    %add3A_137 = vector.broadcast %add3A_133 : vector<1x8xf32> to vector<256x8xf32>
    %add3A_138 = arith.addf %dot_general3A_136, %add3A_137 : vector<256x8xf32>
    %convert_element_type3A_139 = arith.extf %slice3A_134 : vector<256x8xbf16> to vector<256x8xf32>
    %reduce_sum3A_140 = arith.constant dense<0.000000e+00> : vector<8xf32>
    %reduce_sum3A_141 = vector.multi_reduction <add>, %convert_element_type3A_139, %reduce_sum3A_140 [0] : vector<256x8xf32> to vector<8xf32>
    %broadcast_in_dim3A_142 = vector.shape_cast %reduce_sum3A_141 : vector<8xf32> to vector<1x8xf32>
    %add3A_143 = arith.addf %add3A_133, %broadcast_in_dim3A_142 : vector<1x8xf32>
    %slice3A_144 = vector.extract_strided_slice %convert_element_type3A_106 {offsets = [768, 0], sizes = [256, 8], strides = [1, 1]} : vector<2048x8xbf16> to vector<256x8xbf16>
    %dot_general3A_145 = arith.constant dense<0.000000e+00> : vector<256x8xf32>
    %dot_general3A_146 = tpu.matmul %convert_element_type3A_111, %slice3A_144, %dot_general3A_145 {dimension_numbers = #tpu.dot_dimension_numbers<[1], [0], [0], [1], [0, 0, 1, 1], [], []>, transpose_lhs_hint = false} : vector<256x256xbf16>, vector<256x8xbf16>, vector<256x8xf32> -> vector<256x8xf32>
    %add3A_147 = vector.broadcast %add3A_143 : vector<1x8xf32> to vector<256x8xf32>
    %add3A_148 = arith.addf %dot_general3A_146, %add3A_147 : vector<256x8xf32>
    %convert_element_type3A_149 = arith.extf %slice3A_144 : vector<256x8xbf16> to vector<256x8xf32>
    %reduce_sum3A_150 = arith.constant dense<0.000000e+00> : vector<8xf32>
    %reduce_sum3A_151 = vector.multi_reduction <add>, %convert_element_type3A_149, %reduce_sum3A_150 [0] : vector<256x8xf32> to vector<8xf32>
    %broadcast_in_dim3A_152 = vector.shape_cast %reduce_sum3A_151 : vector<8xf32> to vector<1x8xf32>
    %add3A_153 = arith.addf %add3A_143, %broadcast_in_dim3A_152 : vector<1x8xf32>
    %slice3A_154 = vector.extract_strided_slice %convert_element_type3A_106 {offsets = [1024, 0], sizes = [256, 8], strides = [1, 1]} : vector<2048x8xbf16> to vector<256x8xbf16>
    %dot_general3A_155 = arith.constant dense<0.000000e+00> : vector<256x8xf32>
    %dot_general3A_156 = tpu.matmul %convert_element_type3A_111, %slice3A_154, %dot_general3A_155 {dimension_numbers = #tpu.dot_dimension_numbers<[1], [0], [0], [1], [0, 0, 1, 1], [], []>, transpose_lhs_hint = false} : vector<256x256xbf16>, vector<256x8xbf16>, vector<256x8xf32> -> vector<256x8xf32>
    %add3A_157 = vector.broadcast %add3A_153 : vector<1x8xf32> to vector<256x8xf32>
    %add3A_158 = arith.addf %dot_general3A_156, %add3A_157 : vector<256x8xf32>
    %convert_element_type3A_159 = arith.extf %slice3A_154 : vector<256x8xbf16> to vector<256x8xf32>
    %reduce_sum3A_160 = arith.constant dense<0.000000e+00> : vector<8xf32>
    %reduce_sum3A_161 = vector.multi_reduction <add>, %convert_element_type3A_159, %reduce_sum3A_160 [0] : vector<256x8xf32> to vector<8xf32>
    %broadcast_in_dim3A_162 = vector.shape_cast %reduce_sum3A_161 : vector<8xf32> to vector<1x8xf32>
    %add3A_163 = arith.addf %add3A_153, %broadcast_in_dim3A_162 : vector<1x8xf32>
    %slice3A_164 = vector.extract_strided_slice %convert_element_type3A_106 {offsets = [1280, 0], sizes = [256, 8], strides = [1, 1]} : vector<2048x8xbf16> to vector<256x8xbf16>
    %dot_general3A_165 = arith.constant dense<0.000000e+00> : vector<256x8xf32>
    %dot_general3A_166 = tpu.matmul %convert_element_type3A_111, %slice3A_164, %dot_general3A_165 {dimension_numbers = #tpu.dot_dimension_numbers<[1], [0], [0], [1], [0, 0, 1, 1], [], []>, transpose_lhs_hint = false} : vector<256x256xbf16>, vector<256x8xbf16>, vector<256x8xf32> -> vector<256x8xf32>
    %add3A_167 = vector.broadcast %add3A_163 : vector<1x8xf32> to vector<256x8xf32>
    %add3A_168 = arith.addf %dot_general3A_166, %add3A_167 : vector<256x8xf32>
    %convert_element_type3A_169 = arith.extf %slice3A_164 : vector<256x8xbf16> to vector<256x8xf32>
    %reduce_sum3A_170 = arith.constant dense<0.000000e+00> : vector<8xf32>
    %reduce_sum3A_171 = vector.multi_reduction <add>, %convert_element_type3A_169, %reduce_sum3A_170 [0] : vector<256x8xf32> to vector<8xf32>
    %broadcast_in_dim3A_172 = vector.shape_cast %reduce_sum3A_171 : vector<8xf32> to vector<1x8xf32>
    %add3A_173 = arith.addf %add3A_163, %broadcast_in_dim3A_172 : vector<1x8xf32>
    %slice3A_174 = vector.extract_strided_slice %convert_element_type3A_106 {offsets = [1536, 0], sizes = [256, 8], strides = [1, 1]} : vector<2048x8xbf16> to vector<256x8xbf16>
    %dot_general3A_175 = arith.constant dense<0.000000e+00> : vector<256x8xf32>
    %dot_general3A_176 = tpu.matmul %convert_element_type3A_111, %slice3A_174, %dot_general3A_175 {dimension_numbers = #tpu.dot_dimension_numbers<[1], [0], [0], [1], [0, 0, 1, 1], [], []>, transpose_lhs_hint = false} : vector<256x256xbf16>, vector<256x8xbf16>, vector<256x8xf32> -> vector<256x8xf32>
    %add3A_177 = vector.broadcast %add3A_173 : vector<1x8xf32> to vector<256x8xf32>
    %add3A_178 = arith.addf %dot_general3A_176, %add3A_177 : vector<256x8xf32>
    %convert_element_type3A_179 = arith.extf %slice3A_174 : vector<256x8xbf16> to vector<256x8xf32>
    %reduce_sum3A_180 = arith.constant dense<0.000000e+00> : vector<8xf32>
    %reduce_sum3A_181 = vector.multi_reduction <add>, %convert_element_type3A_179, %reduce_sum3A_180 [0] : vector<256x8xf32> to vector<8xf32>
    %broadcast_in_dim3A_182 = vector.shape_cast %reduce_sum3A_181 : vector<8xf32> to vector<1x8xf32>
    %add3A_183 = arith.addf %add3A_173, %broadcast_in_dim3A_182 : vector<1x8xf32>
    %slice3A_184 = vector.extract_strided_slice %convert_element_type3A_106 {offsets = [1792, 0], sizes = [256, 8], strides = [1, 1]} : vector<2048x8xbf16> to vector<256x8xbf16>
    %dot_general3A_185 = arith.constant dense<0.000000e+00> : vector<256x8xf32>
    %dot_general3A_186 = tpu.matmul %convert_element_type3A_111, %slice3A_184, %dot_general3A_185 {dimension_numbers = #tpu.dot_dimension_numbers<[1], [0], [0], [1], [0, 0, 1, 1], [], []>, transpose_lhs_hint = false} : vector<256x256xbf16>, vector<256x8xbf16>, vector<256x8xf32> -> vector<256x8xf32>
    %add3A_187 = vector.broadcast %add3A_183 : vector<1x8xf32> to vector<256x8xf32>
    %add3A_188 = arith.addf %dot_general3A_186, %add3A_187 : vector<256x8xf32>
    %convert_element_type3A_189 = arith.extf %slice3A_184 : vector<256x8xbf16> to vector<256x8xf32>
    %reduce_sum3A_190 = arith.constant dense<0.000000e+00> : vector<8xf32>
    %reduce_sum3A_191 = vector.multi_reduction <add>, %convert_element_type3A_189, %reduce_sum3A_190 [0] : vector<256x8xf32> to vector<8xf32>
    %broadcast_in_dim3A_192 = vector.shape_cast %reduce_sum3A_191 : vector<8xf32> to vector<1x8xf32>
    %add3A_193 = arith.addf %add3A_183, %broadcast_in_dim3A_192 : vector<1x8xf32>
    %concatenate3A_194 = tpu.concatenate %add3A_118, %add3A_128, %add3A_138, %add3A_148, %add3A_158, %add3A_168, %add3A_178, %add3A_188 in 0 : vector<256x8xf32>, vector<256x8xf32>, vector<256x8xf32>, vector<256x8xf32>, vector<256x8xf32>, vector<256x8xf32>, vector<256x8xf32>, vector<256x8xf32> -> vector<2048x8xf32>
    %add3A_195 = arith.constant 2.550000e+02 : f32
    %add3A_196 = vector.broadcast %add3A_195 : f32 to vector<1x8xf32>
    %add3A_197 = arith.addf %add3A_193, %add3A_196 : vector<1x8xf32>
    %mul3A = arith.constant 3.906250e-03 : f32
    %mul3A_198 = vector.broadcast %mul3A : f32 to vector<1x8xf32>
    %mul3A_199 = arith.mulf %add3A_197, %mul3A_198 : vector<1x8xf32>
    %floor3A = math.floor %mul3A_199 : vector<1x8xf32>
    %mul3A_200 = arith.constant 2.560000e+02 : f32
    %mul3A_201 = vector.broadcast %mul3A_200 : f32 to vector<1x8xf32>
    %mul3A_202 = arith.mulf %floor3A, %mul3A_201 : vector<1x8xf32>
    %iota3A_203 = tpu.iota {dimensions = array<i32: 0>} : vector<8x8xi32>
    %iota3A_204 = tpu.iota {dimensions = array<i32: 1>} : vector<8x8xi32>
    %lt3A_205 = arith.cmpi slt, %iota3A_203, %iota3A_204 : vector<8x8xi32>
    %convert_element_type3A_206 = arith.extui %lt3A_205 : vector<8x8xi1> to vector<8x8xi32>
    %convert_element_type3A_207 = arith.sitofp %convert_element_type3A_206 : vector<8x8xi32> to vector<8x8xf32>
    %dot_general3A_208 = arith.constant dense<0.000000e+00> : vector<1x8xf32>
    %dot_general3A_209 = tpu.matmul %mul3A_202, %convert_element_type3A_207, %dot_general3A_208 {dimension_numbers = #tpu.dot_dimension_numbers<[1], [0], [0], [1], [0, 0, 1, 1], [], []>, transpose_lhs_hint = false} : vector<1x8xf32>, vector<8x8xf32>, vector<1x8xf32> -> vector<1x8xf32>
    %le3A = arith.cmpi sle, %iota3A_203, %iota3A_204 : vector<8x8xi32>
    %convert_element_type3A_210 = arith.extui %le3A : vector<8x8xi1> to vector<8x8xi32>
    %convert_element_type3A_211 = arith.sitofp %convert_element_type3A_210 : vector<8x8xi32> to vector<8x8xf32>
    %dot_general3A_212 = arith.constant dense<0.000000e+00> : vector<1x8xf32>
    %dot_general3A_213 = tpu.matmul %floor3A, %convert_element_type3A_211, %dot_general3A_212 {dimension_numbers = #tpu.dot_dimension_numbers<[1], [0], [0], [1], [0, 0, 1, 1], [], []>, transpose_lhs_hint = false} : vector<1x8xf32>, vector<8x8xf32>, vector<1x8xf32> -> vector<1x8xf32>
    %convert_element_type3A_214 = arith.fptosi %dot_general3A_213 : vector<1x8xf32> to vector<1x8xi32>
    %slice3A_215 = vector.extract_strided_slice %convert_element_type3A_214 {offsets = [0, 7], sizes = [1, 1], strides = [1, 1]} : vector<1x8xi32> to vector<1x1xi32>
    %swap3A_216 = arith.constant 0 : index
    %swap3A_217 = arith.constant 0 : index
    %swap3A_218 = vector.load %arg12[%swap3A_216, %swap3A_217] : memref<1x1xi32, #tpu.memory_space<vmem>>, vector<1x1xi32>
    tpu.vector_store %arg12[%swap3A_216, %swap3A_217], %slice3A_215 {strides = array<i32>} : memref<1x1xi32, #tpu.memory_space<vmem>>, vector<1x1xi32>,
    %iota3A_219 = tpu.iota {dimensions = array<i32: 0>} : vector<23x8xi32>
    %broadcast_in_dim3A_220 = vector.shape_cast %convert_element_type3A_214 : vector<1x8xi32> to vector<1x8xi32>
    %broadcast_in_dim3A_221 = vector.broadcast %broadcast_in_dim3A_220 : vector<1x8xi32> to vector<23x8xi32>
    %le3A_222 = arith.cmpi sle, %broadcast_in_dim3A_221, %iota3A_219 : vector<23x8xi32>
    %convert_element_type3A_223 = arith.extui %le3A_222 : vector<23x8xi1> to vector<23x8xi32>
    %reduce_sum3A_224 = arith.constant dense<0> : vector<23xi32>
    %reduce_sum3A_225 = vector.multi_reduction <add>, %convert_element_type3A_223, %reduce_sum3A_224 [1] : vector<23x8xi32> to vector<23xi32>
    %broadcast_in_dim3A_226 = vector.shape_cast %reduce_sum3A_225 : vector<23xi32> to vector<23x1xi32>
    %min3A = arith.constant 7 : i32
    %min3A_227 = vector.broadcast %min3A : i32 to vector<23x1xi32>
    %min3A_228 = arith.minsi %broadcast_in_dim3A_226, %min3A_227 : vector<23x1xi32>
    %swap3A_229 = arith.constant 0 : index
    %swap3A_230 = arith.constant 0 : index
    %swap3A_231 = vector.load %arg11[%swap3A_229, %swap3A_230] : memref<23x1xi32, #tpu.memory_space<vmem>>, vector<23x1xi32>
    tpu.vector_store %arg11[%swap3A_229, %swap3A_230], %min3A_228 {strides = array<i32>} : memref<23x1xi32, #tpu.memory_space<vmem>>, vector<23x1xi32>,
    %eq3A_232 = vector.broadcast %broadcast_in_dim3A_78 : vector<2048x1xi32> to vector<2048x8xi32>
    %eq3A_233 = arith.cmpi eq, %iota3A, %eq3A_232 : vector<2048x8xi32>
    %eq3A_234 = vector.broadcast %broadcast_in_dim3A_93 : vector<2048x1xi32> to vector<2048x8xi32>
    %eq3A_235 = arith.cmpi eq, %iota3A, %eq3A_234 : vector<2048x8xi32>
    %add3A_236 = vector.broadcast %dot_general3A_209 : vector<1x8xf32> to vector<2048x8xf32>
    %add3A_237 = arith.addf %concatenate3A_194, %add3A_236 : vector<2048x8xf32>
    %jit3A_238 = arith.constant 0.000000e+00 : f32
    %broadcast_in_dim3A_239 = vector.broadcast %jit3A_238 : f32 to vector<2048x8xf32>
    %select_n3A_240 = arith.select %eq3A_233, %add3A_237, %broadcast_in_dim3A_239 : vector<2048x8xi1>, vector<2048x8xf32>
    %reduce_sum3A_241 = arith.constant dense<0.000000e+00> : vector<2048xf32>
    %reduce_sum3A_242 = vector.multi_reduction <add>, %select_n3A_240, %reduce_sum3A_241 [1] : vector<2048x8xf32> to vector<2048xf32>
    %broadcast_in_dim3A_243 = vector.shape_cast %reduce_sum3A_242 : vector<2048xf32> to vector<2048x1xf32>
    %add3A_244 = vector.broadcast %dot_general3A_209 : vector<1x8xf32> to vector<2048x8xf32>
    %add3A_245 = arith.addf %concatenate3A_194, %add3A_244 : vector<2048x8xf32>
    %jit3A_246 = arith.constant 0.000000e+00 : f32
    %broadcast_in_dim3A_247 = vector.broadcast %jit3A_246 : f32 to vector<2048x8xf32>
    %select_n3A_248 = arith.select %eq3A_235, %add3A_245, %broadcast_in_dim3A_247 : vector<2048x8xi1>, vector<2048x8xf32>
    %reduce_sum3A_249 = arith.constant dense<0.000000e+00> : vector<2048xf32>
    %reduce_sum3A_250 = vector.multi_reduction <add>, %select_n3A_248, %reduce_sum3A_249 [1] : vector<2048x8xf32> to vector<2048xf32>
    %broadcast_in_dim3A_251 = vector.shape_cast %reduce_sum3A_250 : vector<2048xf32> to vector<2048x1xf32>
    %concatenate3A_252 = tpu.concatenate %broadcast_in_dim3A_243, %broadcast_in_dim3A_251 in 1 : vector<2048x1xf32>, vector<2048x1xf32> -> vector<2048x2xf32>
    %convert_element_type3A_253 = arith.fptosi %concatenate3A_252 : vector<2048x2xf32> to vector<2048x2xi32>
    %swap3A_254 = arith.constant 0 : index
    %swap3A_255 = arith.constant 0 : index
    %swap3A_256 = vector.load %arg10[%swap3A_254, %swap3A_255] : memref<2048x2xi32, #tpu.memory_space<vmem>>, vector<2048x2xi32>
    tpu.vector_store %arg10[%swap3A_254, %swap3A_255], %convert_element_type3A_253 {strides = array<i32>} : memref<2048x2xi32, #tpu.memory_space<vmem>>, vector<2048x2xi32>,
    %reduce_sum3A_257 = arith.constant dense<0.000000e+00> : vector<8xf32>
    %reduce_sum3A_258 = vector.multi_reduction <add>, %div3A_68, %reduce_sum3A_257 [0] : vector<2048x8xf32> to vector<8xf32>
    %broadcast_in_dim3A_259 = vector.shape_cast %reduce_sum3A_258 : vector<8xf32> to vector<1x8xf32>
    %div3A_260 = arith.constant 2.048000e+03 : f32
    %div3A_261 = vector.broadcast %div3A_260 : f32 to vector<1x8xf32>
    %div3A_262 = arith.divf %broadcast_in_dim3A_259, %div3A_261 : vector<1x8xf32>
    %log3A = arith.constant 1.250000e-01 : f32
    %log3A_263 = math.log %log3A : f32
    %add3A_264 = arith.constant 9.99999993E-9 : f32
    %add3A_265 = vector.broadcast %add3A_264 : f32 to vector<1x8xf32>
    %add3A_266 = arith.addf %div3A_262, %add3A_265 : vector<1x8xf32>
    %log3A_267 = math.log %add3A_266 : vector<1x8xf32>
    %sub3A_268 = vector.broadcast %log3A_263 : f32 to vector<1x8xf32>
    %sub3A_269 = arith.subf %sub3A_268, %log3A_267 : vector<1x8xf32>
    %mul3A_270 = arith.constant 1.250000e-01 : f32
    %mul3A_271 = vector.broadcast %mul3A_270 : f32 to vector<1x8xf32>
    %mul3A_272 = arith.mulf %mul3A_271, %sub3A_269 : vector<1x8xf32>
    %reduce_sum3A_273 = vector.shape_cast %mul3A_272 : vector<1x8xf32> to vector<1x1x8xf32>
    %reduce_sum3A_274 = arith.constant dense<0.000000e+00> : vector<1xf32>
    %reduce_sum3A_275 = vector.multi_reduction <add>, %reduce_sum3A_273, %reduce_sum3A_274 [1, 2] : vector<1x1x8xf32> to vector<1xf32>
    %reduce_sum3A_276 = vector.shape_cast %reduce_sum3A_275 : vector<1xf32> to vector<1x1x1xf32>
    %reduce_sum3A_277 = vector.extract %reduce_sum3A_276[0, 0, 0] : f32 from vector<1x1x1xf32>
    %reduce_sum3A_278 = vector.shape_cast %div3A_262 : vector<1x8xf32> to vector<1x1x8xf32>
    %reduce_sum3A_279 = arith.constant dense<0.000000e+00> : vector<1xf32>
    %reduce_sum3A_280 = vector.multi_reduction <add>, %reduce_sum3A_278, %reduce_sum3A_279 [1, 2] : vector<1x1x8xf32> to vector<1xf32>
    %reduce_sum3A_281 = vector.shape_cast %reduce_sum3A_280 : vector<1xf32> to vector<1x1x1xf32>
    %reduce_sum3A_282 = vector.extract %reduce_sum3A_281[0, 0, 0] : f32 from vector<1x1x1xf32>
    %div3A_283 = arith.constant 8.000000e+00 : f32
    %div3A_284 = arith.divf %reduce_sum3A_282, %div3A_283 : f32
    %sub3A_285 = vector.broadcast %div3A_284 : f32 to vector<1x8xf32>
    %sub3A_286 = arith.subf %div3A_262, %sub3A_285 : vector<1x8xf32>
    %integer_pow3A = arith.mulf %sub3A_286, %sub3A_286 : vector<1x8xf32>
    %reduce_sum3A_287 = vector.shape_cast %integer_pow3A : vector<1x8xf32> to vector<1x1x8xf32>
    %reduce_sum3A_288 = arith.constant dense<0.000000e+00> : vector<1xf32>
    %reduce_sum3A_289 = vector.multi_reduction <add>, %reduce_sum3A_287, %reduce_sum3A_288 [1, 2] : vector<1x1x8xf32> to vector<1xf32>
    %reduce_sum3A_290 = vector.shape_cast %reduce_sum3A_289 : vector<1xf32> to vector<1x1x1xf32>
    %reduce_sum3A_291 = vector.extract %reduce_sum3A_290[0, 0, 0] : f32 from vector<1x1x1xf32>
    %div3A_292 = arith.constant 7.000000e+00 : f32
    %div3A_293 = arith.divf %reduce_sum3A_291, %div3A_292 : f32
    %add3A_294 = arith.constant 9.99999993E-9 : f32
    %add3A_295 = vector.broadcast %add3A_294 : f32 to vector<1x8xf32>
    %add3A_296 = arith.addf %div3A_262, %add3A_295 : vector<1x8xf32>
    %log3A_297 = math.log %add3A_296 : vector<1x8xf32>
    %mul3A_298 = arith.mulf %div3A_262, %log3A_297 : vector<1x8xf32>
    %reduce_sum3A_299 = vector.shape_cast %mul3A_298 : vector<1x8xf32> to vector<1x1x8xf32>
    %reduce_sum3A_300 = arith.constant dense<0.000000e+00> : vector<1xf32>
    %reduce_sum3A_301 = vector.multi_reduction <add>, %reduce_sum3A_299, %reduce_sum3A_300 [1, 2] : vector<1x1x8xf32> to vector<1xf32>
    %reduce_sum3A_302 = vector.shape_cast %reduce_sum3A_301 : vector<1xf32> to vector<1x1x1xf32>
    %reduce_sum3A_303 = vector.extract %reduce_sum3A_302[0, 0, 0] : f32 from vector<1x1x1xf32>
    %neg3A = arith.constant 0.000000e+00 : f32
    %neg3A_304 = arith.subf %neg3A, %reduce_sum3A_303 : f32
    %log3A_305 = arith.constant 8.000000e+00 : f32
    %log3A_306 = math.log %log3A_305 : f32
    %mul3A_307 = arith.constant 8.000000e+00 : f32
    %mul3A_308 = arith.mulf %log3A_306, %mul3A_307 : f32
    %mul3A_309 = arith.constant 5.000000e-01 : f32
    %mul3A_310 = arith.mulf %mul3A_309, %reduce_sum3A_277 : f32
    %mul3A_311 = arith.constant 3.000000e-01 : f32
    %mul3A_312 = arith.mulf %mul3A_311, %div3A_293 : f32
    %add3A_313 = arith.addf %mul3A_310, %mul3A_312 : f32
    %sub3A_314 = arith.subf %mul3A_308, %neg3A_304 : f32
    %mul3A_315 = arith.constant 2.000000e-01 : f32
    %mul3A_316 = arith.mulf %mul3A_315, %sub3A_314 : f32
    %add3A_317 = arith.addf %add3A_313, %mul3A_316 : f32
    %mul3A_318 = arith.constant 0.00999999977 : f32
    %mul3A_319 = arith.mulf %mul3A_318, %add3A_317 : f32
    %reshape3A = vector.broadcast %mul3A_319 : f32 to vector<1x1xf32>
    %swap3A_320 = arith.constant 0 : index
    %swap3A_321 = arith.constant 0 : index
    %swap3A_322 = vector.load %arg8[%swap3A_320, %swap3A_321] : memref<1x1xf32, #tpu.memory_space<vmem>>, vector<1x1xf32>
    tpu.vector_store %arg8[%swap3A_320, %swap3A_321], %reshape3A {strides = array<i32>} : memref<1x1xf32, #tpu.memory_space<vmem>>, vector<1x1xf32>,
    return
  }
}

module attributes {stable_mosaic.version = 14 : i64} {
  func.func @_grouped_kernel(%arg0: i32, %arg1: memref<23xi32, #tpu.memory_space<smem>>, %arg2: memref<1xi32, #tpu.memory_space<smem>>, %arg3: memref<256x512xi32, #tpu.memory_space<vmem>>, %arg4: memref<1x1024x1024xbf16, #tpu.memory_space<vmem>>, %arg5: memref<1x1x1024xf32, #tpu.memory_space<vmem>>, %arg6: memref<1x1024x1024xbf16, #tpu.memory_space<vmem>>, %arg7: memref<1x1x1024xf32, #tpu.memory_space<vmem>>, %arg8: memref<1x1024x1024xbf16, #tpu.memory_space<vmem>>, %arg9: memref<1x1x1024xf32, #tpu.memory_space<vmem>>, %arg10: memref<256x512xi32, #tpu.memory_space<vmem>>) attributes {dimension_semantics = [#tpu.dimension_semantics<arbitrary>], iteration_bounds = array<i64: 23>, scalar_prefetch = 2 : i64, scratch_operands = 0 : i64, tpu.core_type = #tpu.core_type<tc>, window_params = [{transform_indices = @transform_0, window_bounds = array<i64: 256, 512>}, {transform_indices = @transform_1, window_bounds = array<i64: 1, 1024, 1024>}, {transform_indices = @transform_2, window_bounds = array<i64: 1, 1, 1024>}, {transform_indices = @transform_3, window_bounds = array<i64: 1, 1024, 1024>}, {transform_indices = @transform_4, window_bounds = array<i64: 1, 1, 1024>}, {transform_indices = @transform_5, window_bounds = array<i64: 1, 1024, 1024>}, {transform_indices = @transform_6, window_bounds = array<i64: 1, 1, 1024>}, {transform_indices = @transform_7, window_bounds = array<i64: 256, 512>}]} {
    %get3A = arith.constant 0 : index
    %get3A_0 = memref.load %arg2[%get3A] : memref<1xi32, #tpu.memory_space<smem>>
    %lt3A = arith.cmpi slt, %arg0, %get3A_0 : i32
    %convert_element_type3A = arith.extui %lt3A : i1 to i32
    %cond3A = arith.constant 0 : i32
    %cond3A_1 = arith.cmpi ne, %convert_element_type3A, %cond3A : i32
    scf.if %cond3A_1 {
      %get3A_2 = arith.constant 0 : index
      %get3A_3 = arith.constant 0 : index
      %get3A_4 = vector.load %arg3[%get3A_2, %get3A_3] : memref<256x512xi32, #tpu.memory_space<vmem>>, vector<256x512xi32>
      %bitcast_convert_type3A = tpu.bitcast %get3A_4 : vector<256x512xi32> -> vector<256x512xi32>
      %shift_left3A = arith.constant 16 : i32
      %shift_left3A_5 = vector.broadcast %shift_left3A : i32 to vector<256x512xi32>
      %shift_left3A_6 = arith.shli %bitcast_convert_type3A, %shift_left3A_5 : vector<256x512xi32>
      %bitcast_convert_type3A_7 = tpu.bitcast %shift_left3A_6 : vector<256x512xi32> -> vector<256x512xf32>
      %and3A = arith.constant -65536 : i32
      %and3A_8 = vector.broadcast %and3A : i32 to vector<256x512xi32>
      %and3A_9 = arith.andi %bitcast_convert_type3A, %and3A_8 : vector<256x512xi32>
      %bitcast_convert_type3A_10 = tpu.bitcast %and3A_9 : vector<256x512xi32> -> vector<256x512xf32>
      %convert_element_type3A_11 = arith.truncf %bitcast_convert_type3A_7 : vector<256x512xf32> to vector<256x512xbf16>
      %get3A_12 = arith.constant 0 : index
      %get3A_13 = arith.constant 0 : index
      %get3A_14 = arith.constant 0 : index
      %get3A_15 = vector.load %arg4[%get3A_12, %get3A_13, %get3A_14] : memref<1x1024x1024xbf16, #tpu.memory_space<vmem>>, vector<1x512x1024xbf16>
      %get3A_16 = vector.shape_cast %get3A_15 : vector<1x512x1024xbf16> to vector<512x1024xbf16>
      %dot_general3A = arith.constant dense<0.000000e+00> : vector<256x1024xf32>
      %dot_general3A_17 = tpu.matmul %convert_element_type3A_11, %get3A_16, %dot_general3A {dimension_numbers = #tpu.dot_dimension_numbers<[1], [0], [0], [1], [0, 0, 1, 1], [], []>, transpose_lhs_hint = false} : vector<256x512xbf16>, vector<512x1024xbf16>, vector<256x1024xf32> -> vector<256x1024xf32>
      %convert_element_type3A_18 = arith.truncf %bitcast_convert_type3A_10 : vector<256x512xf32> to vector<256x512xbf16>
      %get3A_19 = arith.constant 0 : index
      %get3A_20 = arith.constant 512 : index
      %get3A_21 = arith.constant 0 : index
      %get3A_22 = vector.load %arg4[%get3A_19, %get3A_20, %get3A_21] : memref<1x1024x1024xbf16, #tpu.memory_space<vmem>>, vector<1x512x1024xbf16>
      %get3A_23 = vector.shape_cast %get3A_22 : vector<1x512x1024xbf16> to vector<512x1024xbf16>
      %dot_general3A_24 = arith.constant dense<0.000000e+00> : vector<256x1024xf32>
      %dot_general3A_25 = tpu.matmul %convert_element_type3A_18, %get3A_23, %dot_general3A_24 {dimension_numbers = #tpu.dot_dimension_numbers<[1], [0], [0], [1], [0, 0, 1, 1], [], []>, transpose_lhs_hint = false} : vector<256x512xbf16>, vector<512x1024xbf16>, vector<256x1024xf32> -> vector<256x1024xf32>
      %add3A = arith.addf %dot_general3A_17, %dot_general3A_25 : vector<256x1024xf32>
      %get3A_26 = arith.constant 0 : index
      %get3A_27 = arith.constant 0 : index
      %get3A_28 = arith.constant 0 : index
      %get3A_29 = vector.load %arg5[%get3A_26, %get3A_27, %get3A_28] : memref<1x1x1024xf32, #tpu.memory_space<vmem>>, vector<1x1x1024xf32>
      %get3A_30 = vector.shape_cast %get3A_29 : vector<1x1x1024xf32> to vector<1x1024xf32>
      %add3A_31 = vector.broadcast %get3A_30 : vector<1x1024xf32> to vector<256x1024xf32>
      %add3A_32 = arith.addf %add3A, %add3A_31 : vector<256x1024xf32>
      %max3A = arith.constant 0.000000e+00 : f32
      %max3A_33 = vector.broadcast %max3A : f32 to vector<256x1024xf32>
      %max3A_34 = arith.maximumf %add3A_32, %max3A_33 : vector<256x1024xf32>
      %convert_element_type3A_35 = arith.truncf %max3A_34 : vector<256x1024xf32> to vector<256x1024xbf16>
      %get3A_36 = arith.constant 0 : index
      %get3A_37 = arith.constant 0 : index
      %get3A_38 = arith.constant 0 : index
      %get3A_39 = vector.load %arg6[%get3A_36, %get3A_37, %get3A_38] : memref<1x1024x1024xbf16, #tpu.memory_space<vmem>>, vector<1x1024x1024xbf16>
      %get3A_40 = vector.shape_cast %get3A_39 : vector<1x1024x1024xbf16> to vector<1024x1024xbf16>
      %dot_general3A_41 = arith.constant dense<0.000000e+00> : vector<256x1024xf32>
      %dot_general3A_42 = tpu.matmul %convert_element_type3A_35, %get3A_40, %dot_general3A_41 {dimension_numbers = #tpu.dot_dimension_numbers<[1], [0], [0], [1], [0, 0, 1, 1], [], []>, transpose_lhs_hint = false} : vector<256x1024xbf16>, vector<1024x1024xbf16>, vector<256x1024xf32> -> vector<256x1024xf32>
      %get3A_43 = arith.constant 0 : index
      %get3A_44 = arith.constant 0 : index
      %get3A_45 = arith.constant 0 : index
      %get3A_46 = vector.load %arg7[%get3A_43, %get3A_44, %get3A_45] : memref<1x1x1024xf32, #tpu.memory_space<vmem>>, vector<1x1x1024xf32>
      %get3A_47 = vector.shape_cast %get3A_46 : vector<1x1x1024xf32> to vector<1x1024xf32>
      %add3A_48 = vector.broadcast %get3A_47 : vector<1x1024xf32> to vector<256x1024xf32>
      %add3A_49 = arith.addf %dot_general3A_42, %add3A_48 : vector<256x1024xf32>
      %max3A_50 = arith.constant 0.000000e+00 : f32
      %max3A_51 = vector.broadcast %max3A_50 : f32 to vector<256x1024xf32>
      %max3A_52 = arith.maximumf %add3A_49, %max3A_51 : vector<256x1024xf32>
      %convert_element_type3A_53 = arith.truncf %max3A_52 : vector<256x1024xf32> to vector<256x1024xbf16>
      %get3A_54 = arith.constant 0 : index
      %get3A_55 = arith.constant 0 : index
      %get3A_56 = arith.constant 0 : index
      %get3A_57 = vector.load %arg8[%get3A_54, %get3A_55, %get3A_56] : memref<1x1024x1024xbf16, #tpu.memory_space<vmem>>, vector<1x1024x1024xbf16>
      %get3A_58 = vector.shape_cast %get3A_57 : vector<1x1024x1024xbf16> to vector<1024x1024xbf16>
      %dot_general3A_59 = arith.constant dense<0.000000e+00> : vector<256x1024xf32>
      %dot_general3A_60 = tpu.matmul %convert_element_type3A_53, %get3A_58, %dot_general3A_59 {dimension_numbers = #tpu.dot_dimension_numbers<[1], [0], [0], [1], [0, 0, 1, 1], [], []>, transpose_lhs_hint = false} : vector<256x1024xbf16>, vector<1024x1024xbf16>, vector<256x1024xf32> -> vector<256x1024xf32>
      %get3A_61 = arith.constant 0 : index
      %get3A_62 = arith.constant 0 : index
      %get3A_63 = arith.constant 0 : index
      %get3A_64 = vector.load %arg9[%get3A_61, %get3A_62, %get3A_63] : memref<1x1x1024xf32, #tpu.memory_space<vmem>>, vector<1x1x1024xf32>
      %get3A_65 = vector.shape_cast %get3A_64 : vector<1x1x1024xf32> to vector<1x1024xf32>
      %add3A_66 = vector.broadcast %get3A_65 : vector<1x1024xf32> to vector<256x1024xf32>
      %add3A_67 = arith.addf %dot_general3A_60, %add3A_66 : vector<256x1024xf32>
      %slice3A = vector.extract_strided_slice %add3A_67 {offsets = [0, 0], sizes = [256, 512], strides = [1, 1]} : vector<256x1024xf32> to vector<256x512xf32>
      %slice3A_68 = vector.extract_strided_slice %add3A_67 {offsets = [0, 512], sizes = [256, 512], strides = [1, 1]} : vector<256x1024xf32> to vector<256x512xf32>
      %bitcast_convert_type3A_69 = tpu.bitcast %slice3A : vector<256x512xf32> -> vector<256x512xi32>
      %add3A_70 = arith.constant 32767 : i32
      %add3A_71 = vector.broadcast %add3A_70 : i32 to vector<256x512xi32>
      %add3A_72 = arith.addi %bitcast_convert_type3A_69, %add3A_71 : vector<256x512xi32>
      %shift_right_logical3A = arith.constant 16 : i32
      %shift_right_logical3A_73 = vector.broadcast %shift_right_logical3A : i32 to vector<256x512xi32>
      %shift_right_logical3A_74 = arith.shrui %bitcast_convert_type3A_69, %shift_right_logical3A_73 : vector<256x512xi32>
      %and3A_75 = arith.constant 1 : i32
      %and3A_76 = vector.broadcast %and3A_75 : i32 to vector<256x512xi32>
      %and3A_77 = arith.andi %shift_right_logical3A_74, %and3A_76 : vector<256x512xi32>
      %add3A_78 = arith.addi %add3A_72, %and3A_77 : vector<256x512xi32>
      %bitcast_convert_type3A_79 = tpu.bitcast %slice3A_68 : vector<256x512xf32> -> vector<256x512xi32>
      %add3A_80 = arith.constant 32767 : i32
      %add3A_81 = vector.broadcast %add3A_80 : i32 to vector<256x512xi32>
      %add3A_82 = arith.addi %bitcast_convert_type3A_79, %add3A_81 : vector<256x512xi32>
      %shift_right_logical3A_83 = arith.constant 16 : i32
      %shift_right_logical3A_84 = vector.broadcast %shift_right_logical3A_83 : i32 to vector<256x512xi32>
      %shift_right_logical3A_85 = arith.shrui %bitcast_convert_type3A_79, %shift_right_logical3A_84 : vector<256x512xi32>
      %and3A_86 = arith.constant 1 : i32
      %and3A_87 = vector.broadcast %and3A_86 : i32 to vector<256x512xi32>
      %and3A_88 = arith.andi %shift_right_logical3A_85, %and3A_87 : vector<256x512xi32>
      %add3A_89 = arith.addi %add3A_82, %and3A_88 : vector<256x512xi32>
      %shift_right_logical3A_90 = arith.constant 16 : i32
      %shift_right_logical3A_91 = vector.broadcast %shift_right_logical3A_90 : i32 to vector<256x512xi32>
      %shift_right_logical3A_92 = arith.shrui %add3A_78, %shift_right_logical3A_91 : vector<256x512xi32>
      %and3A_93 = arith.constant -65536 : i32
      %and3A_94 = vector.broadcast %and3A_93 : i32 to vector<256x512xi32>
      %and3A_95 = arith.andi %add3A_89, %and3A_94 : vector<256x512xi32>
      %or3A = arith.ori %shift_right_logical3A_92, %and3A_95 : vector<256x512xi32>
      %bitcast_convert_type3A_96 = tpu.bitcast %or3A : vector<256x512xi32> -> vector<256x512xi32>
      %swap3A = arith.constant 0 : index
      %swap3A_97 = arith.constant 0 : index
      %swap3A_98 = vector.load %arg10[%swap3A, %swap3A_97] : memref<256x512xi32, #tpu.memory_space<vmem>>, vector<256x512xi32>
      tpu.vector_store %arg10[%swap3A, %swap3A_97], %bitcast_convert_type3A_96 {strides = array<i32>} : memref<256x512xi32, #tpu.memory_space<vmem>>, vector<256x512xi32>,
    } else {
    }
    return
  }
  func.func @transform_0(%arg0: i32, %arg1: memref<23xi32, #tpu.memory_space<smem>>, %arg2: memref<1xi32, #tpu.memory_space<smem>>) -> (i32, i32) {
    %c0_i32 = arith.constant 0 : i32
    %c0_i32_0 = arith.constant 0 : i32
    return %arg0, %c0_i32 : i32, i32
  }
  func.func @transform_1(%arg0: i32, %arg1: memref<23xi32, #tpu.memory_space<smem>>, %arg2: memref<1xi32, #tpu.memory_space<smem>>) -> (i32, i32, i32) {
    %get3A = arith.index_cast %arg0 : i32 to index
    %get3A_0 = memref.load %arg1[%get3A] : memref<23xi32, #tpu.memory_space<smem>>
    %c0_i32 = arith.constant 0 : i32
    %c0_i32_1 = arith.constant 0 : i32
    %c0_i32_2 = arith.constant 0 : i32
    return %get3A_0, %c0_i32, %c0_i32_1 : i32, i32, i32
  }
  func.func @transform_2(%arg0: i32, %arg1: memref<23xi32, #tpu.memory_space<smem>>, %arg2: memref<1xi32, #tpu.memory_space<smem>>) -> (i32, i32, i32) {
    %get3A = arith.index_cast %arg0 : i32 to index
    %get3A_0 = memref.load %arg1[%get3A] : memref<23xi32, #tpu.memory_space<smem>>
    %c0_i32 = arith.constant 0 : i32
    %c0_i32_1 = arith.constant 0 : i32
    %c0_i32_2 = arith.constant 0 : i32
    return %get3A_0, %c0_i32, %c0_i32_1 : i32, i32, i32
  }
  func.func @transform_3(%arg0: i32, %arg1: memref<23xi32, #tpu.memory_space<smem>>, %arg2: memref<1xi32, #tpu.memory_space<smem>>) -> (i32, i32, i32) {
    %get3A = arith.index_cast %arg0 : i32 to index
    %get3A_0 = memref.load %arg1[%get3A] : memref<23xi32, #tpu.memory_space<smem>>
    %c0_i32 = arith.constant 0 : i32
    %c0_i32_1 = arith.constant 0 : i32
    %c0_i32_2 = arith.constant 0 : i32
    return %get3A_0, %c0_i32, %c0_i32_1 : i32, i32, i32
  }
  func.func @transform_4(%arg0: i32, %arg1: memref<23xi32, #tpu.memory_space<smem>>, %arg2: memref<1xi32, #tpu.memory_space<smem>>) -> (i32, i32, i32) {
    %get3A = arith.index_cast %arg0 : i32 to index
    %get3A_0 = memref.load %arg1[%get3A] : memref<23xi32, #tpu.memory_space<smem>>
    %c0_i32 = arith.constant 0 : i32
    %c0_i32_1 = arith.constant 0 : i32
    %c0_i32_2 = arith.constant 0 : i32
    return %get3A_0, %c0_i32, %c0_i32_1 : i32, i32, i32
  }
  func.func @transform_5(%arg0: i32, %arg1: memref<23xi32, #tpu.memory_space<smem>>, %arg2: memref<1xi32, #tpu.memory_space<smem>>) -> (i32, i32, i32) {
    %get3A = arith.index_cast %arg0 : i32 to index
    %get3A_0 = memref.load %arg1[%get3A] : memref<23xi32, #tpu.memory_space<smem>>
    %c0_i32 = arith.constant 0 : i32
    %c0_i32_1 = arith.constant 0 : i32
    %c0_i32_2 = arith.constant 0 : i32
    return %get3A_0, %c0_i32, %c0_i32_1 : i32, i32, i32
  }
  func.func @transform_6(%arg0: i32, %arg1: memref<23xi32, #tpu.memory_space<smem>>, %arg2: memref<1xi32, #tpu.memory_space<smem>>) -> (i32, i32, i32) {
    %get3A = arith.index_cast %arg0 : i32 to index
    %get3A_0 = memref.load %arg1[%get3A] : memref<23xi32, #tpu.memory_space<smem>>
    %c0_i32 = arith.constant 0 : i32
    %c0_i32_1 = arith.constant 0 : i32
    %c0_i32_2 = arith.constant 0 : i32
    return %get3A_0, %c0_i32, %c0_i32_1 : i32, i32, i32
  }
  func.func @transform_7(%arg0: i32, %arg1: memref<23xi32, #tpu.memory_space<smem>>, %arg2: memref<1xi32, #tpu.memory_space<smem>>) -> (i32, i32) {
    %c0_i32 = arith.constant 0 : i32
    %c0_i32_0 = arith.constant 0 : i32
    return %arg0, %c0_i32 : i32, i32
  }
}

module attributes {stable_mosaic.version = 14 : i64} {
  func.func @_combine_kernel(%arg0: i32, %arg1: memref<256x512xi32, #tpu.memory_space<vmem>>, %arg2: memref<256x512xi32, #tpu.memory_space<vmem>>, %arg3: memref<256x2xf32, #tpu.memory_space<vmem>>, %arg4: memref<256x1024xf32, #tpu.memory_space<vmem>>) attributes {dimension_semantics = [#tpu.dimension_semantics<arbitrary>], iteration_bounds = array<i64: 8>, scalar_prefetch = 0 : i64, scratch_operands = 0 : i64, tpu.core_type = #tpu.core_type<tc>, window_params = [{transform_indices = @transform_0, window_bounds = array<i64: 256, 512>}, {transform_indices = @transform_1, window_bounds = array<i64: 256, 512>}, {transform_indices = @transform_2, window_bounds = array<i64: 256, 2>}, {transform_indices = @transform_3, window_bounds = array<i64: 256, 1024>}]} {
    %get3A = arith.constant 0 : index
    %get3A_0 = arith.constant 0 : index
    %get3A_1 = vector.load %arg3[%get3A, %get3A_0] : memref<256x2xf32, #tpu.memory_space<vmem>>, vector<256x1xf32>
    %get3A_2 = arith.constant 0 : index
    %get3A_3 = arith.constant 1 : index
    %get3A_4 = vector.load %arg3[%get3A_2, %get3A_3] : memref<256x2xf32, #tpu.memory_space<vmem>>, vector<256x1xf32>
    %get3A_5 = arith.constant 0 : index
    %get3A_6 = arith.constant 0 : index
    %get3A_7 = vector.load %arg1[%get3A_5, %get3A_6] : memref<256x512xi32, #tpu.memory_space<vmem>>, vector<256x512xi32>
    %bitcast_convert_type3A = tpu.bitcast %get3A_7 : vector<256x512xi32> -> vector<256x512xi32>
    %shift_left3A = arith.constant 16 : i32
    %shift_left3A_8 = vector.broadcast %shift_left3A : i32 to vector<256x512xi32>
    %shift_left3A_9 = arith.shli %bitcast_convert_type3A, %shift_left3A_8 : vector<256x512xi32>
    %bitcast_convert_type3A_10 = tpu.bitcast %shift_left3A_9 : vector<256x512xi32> -> vector<256x512xf32>
    %and3A = arith.constant -65536 : i32
    %and3A_11 = vector.broadcast %and3A : i32 to vector<256x512xi32>
    %and3A_12 = arith.andi %bitcast_convert_type3A, %and3A_11 : vector<256x512xi32>
    %bitcast_convert_type3A_13 = tpu.bitcast %and3A_12 : vector<256x512xi32> -> vector<256x512xf32>
    %get3A_14 = arith.constant 0 : index
    %get3A_15 = arith.constant 0 : index
    %get3A_16 = vector.load %arg2[%get3A_14, %get3A_15] : memref<256x512xi32, #tpu.memory_space<vmem>>, vector<256x512xi32>
    %bitcast_convert_type3A_17 = tpu.bitcast %get3A_16 : vector<256x512xi32> -> vector<256x512xi32>
    %shift_left3A_18 = arith.constant 16 : i32
    %shift_left3A_19 = vector.broadcast %shift_left3A_18 : i32 to vector<256x512xi32>
    %shift_left3A_20 = arith.shli %bitcast_convert_type3A_17, %shift_left3A_19 : vector<256x512xi32>
    %bitcast_convert_type3A_21 = tpu.bitcast %shift_left3A_20 : vector<256x512xi32> -> vector<256x512xf32>
    %and3A_22 = arith.constant -65536 : i32
    %and3A_23 = vector.broadcast %and3A_22 : i32 to vector<256x512xi32>
    %and3A_24 = arith.andi %bitcast_convert_type3A_17, %and3A_23 : vector<256x512xi32>
    %bitcast_convert_type3A_25 = tpu.bitcast %and3A_24 : vector<256x512xi32> -> vector<256x512xf32>
    %mul3A = vector.broadcast %get3A_1 : vector<256x1xf32> to vector<256x512xf32>
    %mul3A_26 = arith.mulf %mul3A, %bitcast_convert_type3A_10 : vector<256x512xf32>
    %mul3A_27 = vector.broadcast %get3A_4 : vector<256x1xf32> to vector<256x512xf32>
    %mul3A_28 = arith.mulf %mul3A_27, %bitcast_convert_type3A_21 : vector<256x512xf32>
    %add3A = arith.addf %mul3A_26, %mul3A_28 : vector<256x512xf32>
    %mul3A_29 = vector.broadcast %get3A_1 : vector<256x1xf32> to vector<256x512xf32>
    %mul3A_30 = arith.mulf %mul3A_29, %bitcast_convert_type3A_13 : vector<256x512xf32>
    %mul3A_31 = vector.broadcast %get3A_4 : vector<256x1xf32> to vector<256x512xf32>
    %mul3A_32 = arith.mulf %mul3A_31, %bitcast_convert_type3A_25 : vector<256x512xf32>
    %add3A_33 = arith.addf %mul3A_30, %mul3A_32 : vector<256x512xf32>
    %concatenate3A = tpu.concatenate %add3A, %add3A_33 in 1 : vector<256x512xf32>, vector<256x512xf32> -> vector<256x1024xf32>
    %swap3A = arith.constant 0 : index
    %swap3A_34 = arith.constant 0 : index
    %swap3A_35 = vector.load %arg4[%swap3A, %swap3A_34] : memref<256x1024xf32, #tpu.memory_space<vmem>>, vector<256x1024xf32>
    tpu.vector_store %arg4[%swap3A, %swap3A_34], %concatenate3A {strides = array<i32>} : memref<256x1024xf32, #tpu.memory_space<vmem>>, vector<256x1024xf32>,
    return
  }
  func.func @transform_0(%arg0: i32) -> (i32, i32) {
    %c0_i32 = arith.constant 0 : i32
    %c0_i32_0 = arith.constant 0 : i32
    return %arg0, %c0_i32 : i32, i32
  }
  func.func @transform_1(%arg0: i32) -> (i32, i32) {
    %add3A = arith.constant 8 : i32
    %add3A_0 = arith.addi %add3A, %arg0 : i32
    %c0_i32 = arith.constant 0 : i32
    %c0_i32_1 = arith.constant 0 : i32
    return %add3A_0, %c0_i32 : i32, i32
  }
  func.func @transform_2(%arg0: i32) -> (i32, i32) {
    %c0_i32 = arith.constant 0 : i32
    %c0_i32_0 = arith.constant 0 : i32
    return %arg0, %c0_i32 : i32, i32
  }
  func.func @transform_3(%arg0: i32) -> (i32, i32) {
    %c0_i32 = arith.constant 0 : i32
    %c0_i32_0 = arith.constant 0 : i32
    return %arg0, %c0_i32 : i32, i32
  }
}

</mosaic_0001>

<sc_bundles>
// kernel: kernel.10.cloned.1.call-start
scs
__scs_entry_jumppad:
0x0: {  	(pc) =	sbr.rel $0x88, $3  }
0x1: {  	(tag) =	ssettag $0x0;
	lr =	simm.s32 $0x1  }
0x2: {  	[smem:$0x3F94] =	sst lr;
	_ =	strace $0xD0000000  }
0x3: {  	_ = 	snop  }
0x4: {  	_ = 	snop  }
0x5: {  	_ = 	snop  }
0x6: {  	_ = 	snop  }
0x7: {  	_ = 	snop  }
__scs_overlays_trampoline_lowered:
0x8: {  	[smem:$0x3FA3] =	sst s0  }
0x9: {  	[smem:$0x3FA4] =	sst s1  }
0xa: {  	[smem:$0x3FA5] =	sst s2  }
0xb: {  	[smem:$0x3FA6] =	sst s3  }
0xc: {  	[smem:$0x3FA7] =	sst s4  }
0xd: {  	[smem:$0x3FA8] =	sst s5  }
0xe: {  	[smem:$0x3FA9] =	sst s6  }
0xf: {  	[smem:$0x3FAA] =	sst s7  }
0x10: {  	[smem:$0x3FAB] =	sst s8  }
0x11: {  	[smem:$0x3FAC] =	sst s9;
	s0 =	simm.s32 @!p0 $0x0  }
0x12: {  	s1 =	sld [smem:$0x3F92];
	s0 =	simm.s32 @p0 $0x1  }
0x13: {  	[smem:$0x3FAD] =	sst s0;
	s0 =	simm.s32 @!p1 $0x0  }
0x14: {  	s2 =	sld [smem:$0x3F91];
	s0 =	simm.s32 @p1 $0x1  }
0x15: {  	[smem:$0x3FAE] =	sst s0;
	s0 =	simm.s32 @!p2 $0x0  }
0x16: {  	s3 =	sld [smem:$0x3FDB];
	s0 =	simm.s32 @p2 $0x1  }
0x17: {  	s4 =	simm.s32 $0x1BF5;
	[smem:$0x3FB0] =	sst s0  }
0x18: {  	s0 =	sld [smem:$0x3F93];
	_ =	swait.ge [sflag:s4], $0x0  }
0x19: {  	s7 =	sld [smem:$0x3F94]  }
0x1a: {  	s8 =	sadd.s32 $0xFFFFE003, lr  }
0x1b: {  	s9 =	sadd.s32 $0xFFFFFEF7, lr;
	s5 =	simm.s32 $0xFFFFFFFF;
	p2 =	slt.u32 s8, $0xFFFFF086  }
0x1c: {  	p1 =	slt.u32 s9, $0xF7A;
	s5 =	simm.s32 @!p2 $0x0  }
0x1d: {  	s5 =	simm.s32 @p1 $0x1;
	p0 =	seq.s32 s7, s2  }
0x1e: {  	s7 =	smul.u32 @!p0 $0xF7A, s2;
	p2 =	seq.s32 @!p0 s5, $0x0  }
0x1f: {  	s9 =	smul.u32 $0xF7A, s1;
	s8 =	simm.s32 @!p0 $0x1BF5;
	p2 =	por !p2, p0  }
0x20: {  	[sflag:s8] =	ssyncset.s32 @!p0 $0xFFFFF086;
	s6 =	sadd.s32 @!p0 s3, s7;
	s7 =	simm.s32 @!p0 $0x108  }
0x21: {  	s3 =	sadd.s32 s3, s9;
	s6 =	sadd.s32 @!p0 $0x88, s6;
	s7 =	simm.s32 @p2 $0x1082  }
0x22: {  	[simem:s7], [sflag:s8] =	dma.local @!p0 [hbm:s6], $0xF7A  }
0x23: {  	s9 =	sor.u32 $0xD0000000, s2;
	s6 =	simm.s32 $0x108;
	_ =	swait.ge @!p0 [sflag:s8], $0x0  }
0x24: {  	s3 =	sadd.s32 $0x88, s3;
	s6 =	simm.s32 @!p1 $0x1082;
	[sflag:s4] =	ssyncset.s32 $0xFFFFF086  }
0x25: {  	[simem:s6], [sflag:s4] =	dma.local [hbm:s3], $0xF7A  }
0x26: {  	[smem:$0x3F94] =	sst s1;
	(tag) =	ssettag s2;
	_ =	strace s9  }
0x27: {  	s1 =	sld [smem:$0x3FA4]  }
0x28: {  	s2 =	sld [smem:$0x3FA5]  }
0x29: {  	s4 =	sld [smem:$0x3FA7]  }
0x2a: {  	p0 =	seq.s32 s5, $0x0;
	s5 =	sld [smem:$0x3FA8]  }
0x2b: {  	s6 =	sld [smem:$0x3FA9]  }
0x2c: {  	s7 =	sld [smem:$0x3FAA]  }
0x2d: {  	s3 =	simm.s32 $0x108;
	s8 =	sld [smem:$0x3FAB]  }
0x2e: {  	s3 =	simm.s32 @!p0 $0x1082;
	s9 =	sld [smem:$0x3FAC]  }
0x2f: {  	lr =	sadd.s32 s0, s3;
	s0 =	sld [smem:$0x3FA3]  }
0x30: {  	s3 =	sld [smem:$0x3FA6]  }
0x31: {  	[smem:$0x3FAF] =	sst s10  }
0x32: {  	s10 =	sld [smem:$0x3FAD];
	_ =	sdelay $0x3  }
0x33: {  	p0 =	seq.s32 s10, $0x1;
	s10 =	sld [smem:$0x3FAF];
	_ =	sdelay $0x3  }
0x34: {  	[smem:$0x3FAF] =	sst s10  }
0x35: {  	s10 =	sld [smem:$0x3FAE];
	_ =	sdelay $0x3  }
0x36: {  	p1 =	seq.s32 s10, $0x1;
	s10 =	sld [smem:$0x3FAF];
	_ =	sdelay $0x3  }
0x37: {  	[smem:$0x3FAF] =	sst s10  }
0x38: {  	s10 =	sld [smem:$0x3FB0]  }
0x39: {  	_ = 	snop;
	(pc) =	sbr.ind lr, $3  }
0x3a: {  	_ = 	snop  }
0x3b: {  	_ = 	snop  }
0x3c: {  	p2 =	seq.s32 s10, $0x1;
	s10 =	sld [smem:$0x3FAF]  }
0x3d: {  	_ =	shalt  }
0x3e: {  	_ =	shalt  }
0x3f: {  	_ =	shalt  }
0x40: {  	_ =	shalt  }
0x41: {  	_ =	shalt  }
0x42: {  	_ =	shalt  }
0x43: {  	_ =	shalt  }
0x44: {  	_ =	shalt  }
0x45: {  	_ =	shalt  }
0x46: {  	_ =	shalt  }
0x47: {  	_ =	shalt  }
0x48: {  	_ =	shalt  }
0x49: {  	_ =	shalt  }
0x4a: {  	_ =	shalt  }
0x4b: {  	_ =	shalt  }
0x4c: {  	_ =	shalt  }
0x4d: {  	_ =	shalt  }
0x4e: {  	_ =	shalt  }
0x4f: {  	_ =	shalt  }
0x50: {  	_ =	shalt  }
0x51: {  	_ =	shalt  }
0x52: {  	_ =	shalt  }
0x53: {  	_ =	shalt  }
0x54: {  	_ =	shalt  }
0x55: {  	_ =	shalt  }
0x56: {  	_ =	shalt  }
0x57: {  	_ =	shalt  }
0x58: {  	_ =	shalt  }
0x59: {  	_ =	shalt  }
0x5a: {  	_ =	shalt  }
0x5b: {  	_ =	shalt  }
0x5c: {  	_ =	shalt  }
0x5d: {  	_ =	shalt  }
0x5e: {  	_ =	shalt  }
0x5f: {  	_ =	shalt  }
0x60: {  	_ =	shalt  }
0x61: {  	_ =	shalt  }
0x62: {  	_ =	shalt  }
0x63: {  	_ =	shalt  }
0x64: {  	_ =	shalt  }
0x65: {  	_ =	shalt  }
0x66: {  	_ =	shalt  }
0x67: {  	_ =	shalt  }
0x68: {  	_ =	shalt  }
0x69: {  	_ =	shalt  }
0x6a: {  	_ =	shalt  }
0x6b: {  	_ =	shalt  }
0x6c: {  	_ =	shalt  }
0x6d: {  	_ =	shalt  }
0x6e: {  	_ =	shalt  }
0x6f: {  	_ =	shalt  }
0x70: {  	_ =	shalt  }
0x71: {  	_ =	shalt  }
0x72: {  	_ =	shalt  }
0x73: {  	_ =	shalt  }
0x74: {  	_ =	shalt  }
0x75: {  	_ =	shalt  }
0x76: {  	_ =	shalt  }
0x77: {  	_ =	shalt  }
0x78: {  	_ =	shalt  }
0x79: {  	_ =	shalt  }
0x7a: {  	_ =	shalt  }
0x7b: {  	_ =	shalt  }
0x7c: {  	_ =	shalt  }
0x7d: {  	_ =	shalt  }
0x7e: {  	_ =	shalt  }
0x7f: {  	_ =	shalt  }
0x80: {  	_ =	shalt  }
0x81: {  	_ =	shalt  }
0x82: {  	_ =	shalt  }
0x83: {  	_ =	shalt  }
0x84: {  	_ =	shalt  }
0x85: {  	_ =	shalt  }
0x86: {  	_ =	shalt  }
0x87: {  	_ =	shalt  }
.Lfunc_end0:
.L_simem_size_0:
called_computation.1_lowered:
.L_overlay_start_0:
0x88: {  	s2 =	sld [smem:$0x3FD9]  }
0x89: {  	s3 =	sld [smem:$0x3FFE];
	_ =	sdelay $0x1  }
0x8a: {  	s1 =	srdreg.scid  }
0x8b: {  	s0 =	sand.u32 $0x1, s1  }
0x8c: {  	s14 =	sshll.u32 s0, $0xA;
	s2 =	sadd.s32 s3, s2  }
0x8d: {  	s2 =	sadd.s32 s2, s14  }
0x8e: {  	[smem:$0x3FBB] =	sst s2  }
0x8f: {  	_ = 	snop  }
0x90: {  	s2 =	sld [smem:$0x3FD0];
	_ =	sdelay $0x2  }
0x91: {  	s15 =	simm.s32 $0xA;
	s4 =	simm.s32 $0x10  }
0x92: {  	[smem:s4], [sflag:s15] =	dma.local [hbm:s2], $0x1  }
0x93: {  	_ =	swait.eq [sflag:s15], $0x1  }
0x94: {  	[sflag:s15] =	ssyncset.done $0x0  }
0x95: {  	[sflag:s15] =	ssyncadd.s32 $0xFFFFFFFF  }
0x96: {  	s16 =	sld [smem:$0x10];
	(tm) =	ssettm $0x1  }
0x97: {  	s17 =	sld [smem:$0x3FFB];
	_ =	sdelay $0x3  }
0x98: {  	_ =	strace s17  }
0x99: {  	s3 =	sld [smem:$0x3FFC];
	_ =	sdelay $0x3  }
0x9a: {  	_ =	strace s3  }
0x9b: {  	s3 =	sld [smem:$0x3FFD];
	_ =	sdelay $0x3  }
0x9c: {  	_ =	strace s3  }
0x9d: {  	_ =	strace $0x8FFFFFFF  }
0x9e: {  	s18 =	sld [smem:$0x3FDB];
	_ =	sdelay $0x1  }
0x9f: {  	s19 =	simm.s32 $_scs_section_size  }
0xa0: {  	s5 =	simm.s32 $_size__tile_overlayer_lowered;
	s6 =	simm.s32 $_tile_overlayer_lowered  }
0xa1: {  	s22 =	simm.s32 $0x1BFF;
	s21 =	sshll.u32 s6, $0x1;
	s3 =	sadd.s32 s19, s18  }
0xa2: {  	s7 =	simm.s32 $0x0;
	s20 =	sshll.u32 s5, $0x1;
	s5 =	sadd.s32 s21, s3  }
0xa3: {  	[timem:s7], [sflag:s22] =	dma.local [hbm:s5], s20  }
0xa4: {  	_ =	swait.ge [sflag:s22], s20  }
0xa5: {  	s4 =	ssub.s32 $0x0, s20;
	[sflag:s22] =	ssyncset.done $0x0  }
0xa6: {  	[sflag:s22] =	ssyncadd.s32 s4;
	_ =	sdelay $0x1  }
0xa7: {  	s23 =	simm.s32 $0x1B8B  }
0xa8: {  	_ =	swait.ge [sflag:s23], $0x1  }
0xa9: {  	[sflag:s23] =	ssyncset.done $0x0  }
0xaa: {  	s25 =	simm.s32 $0x1B8E;
	s24 =	sld [smem:$0x3FFE];
	[sflag:s23] =	ssyncadd.s32 $0xFFFFFFFF  }
0xab: {  	s26 =	simm.s32 $execute0_lowered;
	[smem:$0x3FD2] =	sst s25  }
0xac: {  	s5 =	sshll.u32 s26, $0x1;
	_ =	strace $0x80000049;
	[dreg:$0x1] =	wrdreg $0xFFFFFFFF  }
0xad: {  	s28 =	simm.s32 $_size_execute0_lowered;
	s3 =	sadd.s32 s3, s5;
	[dreg:$0x0] =	wrdreg $0x0  }
0xae: {  	s5 =	sshll.u32 s28, $0x1;
	[dreg:$0x2] =	wrdreg s3  }
0xaf: {  	[dreg:$0x3] =	wrdreg s5  }
0xb0: {  	[dreg:$0x4] =	wrdreg $0xC0  }
0xb1: {  	_ =	task [dreg:s7], $0x5FFFF  }
0xb2: {  	[dreg:$0x1] =	wrdreg $0xFFFFFFFF  }
0xb3: {  	[dreg:$0x0] =	wrdreg $0x60  }
0xb4: {  	[dreg:$0x2] =	wrdreg s24  }
0xb5: {  	[dreg:$0x3] =	wrdreg s16  }
0xb6: {  	[dreg:$0x4] =	wrdreg $0x9  }
0xb7: {  	_ =	task.clear_ibuf [dreg:s7], $0x5FFFF;
	_ =	strace $0x90000049  }
0xb8: {  	s29 =	simm.s32 $0x9;
	_ =	strace $0x8000004B  }
0xb9: {  	_ =	swait.ge [sflag:s29], $0x1  }
0xba: {  	[sflag:s29] =	ssyncadd.s32 $0xFFFFFFFF  }
0xbb: {  	_ =	strace $0x9000004B  }
0xbc: {  	_ =	sfence  }
0xbd: {  	s30 =	sld [smem:$0x0];
	_ =	sdelay $0x2  }
0xbe: {  	s31 =	sshll.u32 s1, $0xD;
	s1 =	sshrl.u32 s1, $0x2  }
0xbf: {  	s3 =	sand.u32 $0x4000, s31;
	s1 =	sadd.s32 s1, s30  }
0xc0: {  	s0 =	sor.u32 s3, s0;
	s1 =	sshll.u32 s1, $0x11  }
0xc1: {  	s0 =	sor.u32 s1, s0  }
0xc2: {  	s0 =	sadd.s32 $0x8F2B, s0  }
0xc3: {  	[sflag:s0] =	ssyncadd.remote.s32 $0x1  }
0xc4: {  	_ =	sfence.sel $0xFFFF  }
0xc5: {  	[dreg:$0x0] =	wrdreg $0xFFFFFFFF;
	(pc) =	sbr.abs _section_cstart, $3  }
0xc6: {  	[dreg:$0x1] =	wrdreg $0xFFFFFFFF  }
0xc7: {  	_ =	task.clear_ibuf [dreg:s7], $0x2FFFF;
	_ =	strace $0x9FFFFFFF  }
0xc8: {  	(tm) =	ssettm $0x7FFFFFFF  }
0xc9: {  	_ =	shalt  }
tec
execute0_lowered:
.L_overlay_start_1:
0x0: {  	(tag) =	ssettag $0x1  }
0x1: {  	s1 =	srdreg.scid;
	s4 =	rddreg [dreg:$0x0]  }
0x2: {  	s0 =	stileid.u32;
	s5 =	rddreg [dreg:$0x1];
	s18 =	simm.s32 $0x880  }
0x3: {  	s19 =	simm.s32 $0x1080;
	s20 =	simm.s32 $0x1880;
	s21 =	simm.s32 $0x2080  }
0x4: {  	s23 =	simm.s32 $0x2880;
	s24 =	simm.s32 $0x3080;
	s25 =	simm.s32 $0x3880  }
0x5: {  	s26 =	simm.s32 $0x4080;
	s7 =	simm.s32 $0x80;
	s9 =	simm.s32 $0x5080  }
0x6: {  	s10 =	simm.s32 $0x5880;
	s11 =	simm.s32 $0x6080;
	s1 =	sand.u32 $0x1, s1  }
0x7: {  	s12 =	simm.s32 $0x6880;
	s2 =	sshll.u32 s0, $0x8;
	s3 =	sshll.u32 s1, $0x7  }
0x8: {  	s13 =	simm.s32 $0x7080;
	s3 =	sor.u32 s3, s2;
	s2 =	simm.s32 $0x0  }
0x9: {  	s14 =	simm.s32 $0x7880;
	s15 =	simm.s32 $0x8080;
	[smem:$0x7FF] =	sst s2  }
0xa: {  	s16 =	simm.s32 $0x8880;
	_ =	strace $0x8000004A;
	[dreg:$0x5] =	wrdreg s18  }
0xb: {  	s17 =	simm.s32 $0x9080;
	s28 =	simm.s32 $0xE080;
	[dreg:$0x6] =	wrdreg s19  }
0xc: {  	s29 =	simm.s32 $0xE880;
	s30 =	simm.s32 $0xF080;
	[dreg:$0x7] =	wrdreg s20  }
0xd: {  	s31 =	simm.s32 $0xF880;
	s1 =	ssub.s32 $0x2, s1;
	[dreg:$0x8] =	wrdreg s21  }
0xe: {  	s22 =	sshrl.u32 s1, $0x1;
	s6 =	sshrl.u32 s3, $0x3;
	[dreg:$0x9] =	wrdreg s23  }
0xf: {  	s3 =	sshll.u32 s3, $0x6;
	s1 =	ssub.s32 s1, s22;
	[dreg:$0xa] =	wrdreg s24  }
0x10: {  	s22 =	simm.s32 $0xB880;
	s6 =	sadd.s32 s6, s4;
	[dreg:$0xb] =	wrdreg s25  }
0x11: {  	s3 =	sadd.s32 s5, s3;
	s5 =	smax.u32 s1, $0x1;
	[dreg:$0xc] =	wrdreg s26  }
0x12: {  	s18 =	simm.s32 $0x9880;
	s19 =	simm.s32 $0xA080;
	s20 =	simm.s32 $0xA880  }
0x13: {  	s21 =	simm.s32 $0xB080;
	s23 =	simm.s32 $0xC080;
	s24 =	simm.s32 $0xC880  }
0x14: {  	v2 =	vlaneseq.u32;
	s25 =	simm.s32 $0xD080;
	s26 =	simm.s32 $0xD880;
	s1 =	simm.s32 $0x1  }
0x15: {  	vm0 =	vmmov $0xffff;
	v1 =	vshrl.u32 v2, $0x3;
	s6 =	sadd.s32 $0x1E00, s6;
	[dreg:$0x4] =	wrdreg s3;
	s3 =	sadd.s32 $0x2000, s4  }
0x16: {  	v0 =	vand.u32 $0x7, v2;
	v2 =	vor.u32 $0x8, v2;
	v1 =	vmul.u32 $0x8, v1;
	s4 =	sadd.s32 $0x2100, s4;
	[dreg:$0x3] =	wrdreg s6;
	s6 =	simm.s32 $0x2  }
.LBB2_1:
0x17: {  	s0 =	rddreg [dreg:$0x3]  }
0x18: {  	[tilespmem:s2], [sflag:$0x2] =	stream.linear.gather [hbm4b:s0+s2], $0x80, $0x38;
	[tilespmem:$0x10080] =	vst v63  }
0x19: {  	_ =	swait.ge [sflag:s6], $0x80  }
0x1a: {  	[sflag:s6] =	ssyncset.done $0x0  }
0x1b: {  	[sflag:s6] =	ssyncadd.s32 $0xFFFFFF80  }
0x1c: {  	v3 =	vld [tilespmem:$0x0];
	_ =	sdelay $0x4  }
0x1d: {  	v4 =	vshll.u32 v3, $0x2  }
0x1e: {  	v3 =	vand.u32 $0x7, v3;
	v4 =	vand.u32 $0xFFFFFFE0, v4  }
0x1f: {  	v3 =	vor.u32 v3, v4  }
0x20: {  	v4 =	vperm.xlane v3, v0;
	_ =	sdelay $0x1  }
0x21: {  	v4 =	vadd.s32 v1, v4;
	_ =	sdelay $0x1  }
0x22: {  	v3 =	vperm.xlane v3, v2;
	_ =	sdelay $0x1  }
0x23: {  	v3 =	vadd.s32 v1, v3  }
0x24: {  	[tilespmem:s7], [sflag:$0x1] =	stream.indirect_vreg.gather [hbm4b:s3+s2], $0x80, v4, vm0, $0xb8;
	[tilespmem:$0x10080] =	vst v63  }
0x25: {  	s0 =	rddreg [dreg:$0x5]  }
0x26: {  	[tilespmem:s0], [sflag:$0x1] =	stream.indirect_vreg.gather [hbm4b:s4+s2], $0x80, v4, vm0, $0xb8;
	[tilespmem:$0x10080] =	vst v63  }
0x27: {  	s8 =	rddreg [dreg:$0x6]  }
0x28: {  	[tilespmem:s8], [sflag:$0x1] =	stream.indirect_vreg.gather [hbm4b:s3+s2], $0x80, v3, vm0, $0xb8;
	[tilespmem:$0x10080] =	vst v63  }
0x29: {  	s0 =	rddreg [dreg:$0x7]  }
0x2a: {  	[tilespmem:s0], [sflag:$0x1] =	stream.indirect_vreg.gather [hbm4b:s4+s2], $0x80, v3, vm0, $0xb8;
	[tilespmem:$0x10080] =	vst v63  }
0x2b: {  	v3 =	vld [tilespmem:$0x10];
	_ =	sdelay $0x4  }
0x2c: {  	v57 =	vshll.u32 v3, $0x2  }
0x2d: {  	v3 =	vand.u32 $0x7, v3;
	v4 =	vand.u32 $0xFFFFFFE0, v57  }
0x2e: {  	v3 =	vor.u32 v3, v4  }
0x2f: {  	v4 =	vperm.xlane v3, v0;
	_ =	sdelay $0x1  }
0x30: {  	v4 =	vadd.s32 v1, v4;
	_ =	sdelay $0x1  }
0x31: {  	v3 =	vperm.xlane v3, v2;
	_ =	sdelay $0x1  }
0x32: {  	s0 =	rddreg [dreg:$0x8];
	v3 =	vadd.s32 v1, v3  }
0x33: {  	[tilespmem:s0], [sflag:$0x1] =	stream.indirect_vreg.gather [hbm4b:s3+s2], $0x80, v4, vm0, $0xb8;
	[tilespmem:$0x10080] =	vst v63  }
0x34: {  	s8 =	rddreg [dreg:$0x9]  }
0x35: {  	[tilespmem:s8], [sflag:$0x1] =	stream.indirect_vreg.gather [hbm4b:s4+s2], $0x80, v4, vm0, $0xb8;
	[tilespmem:$0x10080] =	vst v63  }
0x36: {  	s0 =	rddreg [dreg:$0xa]  }
0x37: {  	[tilespmem:s0], [sflag:$0x1] =	stream.indirect_vreg.gather [hbm4b:s3+s2], $0x80, v3, vm0, $0xb8;
	[tilespmem:$0x10080] =	vst v63  }
0x38: {  	s8 =	rddreg [dreg:$0xb]  }
0x39: {  	[tilespmem:s8], [sflag:$0x1] =	stream.indirect_vreg.gather [hbm4b:s4+s2], $0x80, v3, vm0, $0xb8;
	[tilespmem:$0x10080] =	vst v63  }
0x3a: {  	v3 =	vld [tilespmem:$0x20];
	_ =	sdelay $0x4  }
0x3b: {  	v58 =	vshll.u32 v3, $0x2  }
0x3c: {  	v3 =	vand.u32 $0x7, v3;
	v4 =	vand.u32 $0xFFFFFFE0, v58  }
0x3d: {  	v3 =	vor.u32 v3, v4  }
0x3e: {  	v4 =	vperm.xlane v3, v0;
	_ =	sdelay $0x1  }
0x3f: {  	v4 =	vadd.s32 v1, v4;
	_ =	sdelay $0x1  }
0x40: {  	v3 =	vperm.xlane v3, v2;
	_ =	sdelay $0x1  }
0x41: {  	s8 =	rddreg [dreg:$0xc];
	v3 =	vadd.s32 v1, v3  }
0x42: {  	[tilespmem:s8], [sflag:$0x1] =	stream.indirect_vreg.gather [hbm4b:s3+s2], $0x80, v4, vm0, $0xb8;
	[tilespmem:$0x10080] =	vst v63  }
0x43: {  	s8 =	simm.s32 $0x4880  }
0x44: {  	[tilespmem:s8], [sflag:$0x1] =	stream.indirect_vreg.gather [hbm4b:s4+s2], $0x80, v4, vm0, $0xb8;
	[tilespmem:$0x10080] =	vst v63  }
0x45: {  	_ = 	snop  }
0x46: {  	[tilespmem:s9], [sflag:$0x1] =	stream.indirect_vreg.gather [hbm4b:s3+s2], $0x80, v3, vm0, $0xb8;
	[tilespmem:$0x10080] =	vst v63  }
0x47: {  	_ = 	snop  }
0x48: {  	[tilespmem:s10], [sflag:$0x1] =	stream.indirect_vreg.gather [hbm4b:s4+s2], $0x80, v3, vm0, $0xb8;
	[tilespmem:$0x10080] =	vst v63  }
0x49: {  	v3 =	vld [tilespmem:$0x30];
	_ =	sdelay $0x4  }
0x4a: {  	v59 =	vshll.u32 v3, $0x2  }
0x4b: {  	v3 =	vand.u32 $0x7, v3;
	v4 =	vand.u32 $0xFFFFFFE0, v59  }
0x4c: {  	v3 =	vor.u32 v3, v4  }
0x4d: {  	v4 =	vperm.xlane v3, v0;
	_ =	sdelay $0x1  }
0x4e: {  	v4 =	vadd.s32 v1, v4;
	_ =	sdelay $0x1  }
0x4f: {  	v3 =	vperm.xlane v3, v2;
	_ =	sdelay $0x1  }
0x50: {  	v3 =	vadd.s32 v1, v3  }
0x51: {  	[tilespmem:s11], [sflag:$0x1] =	stream.indirect_vreg.gather [hbm4b:s3+s2], $0x80, v4, vm0, $0xb8;
	[tilespmem:$0x10080] =	vst v63  }
0x52: {  	_ = 	snop  }
0x53: {  	[tilespmem:s12], [sflag:$0x1] =	stream.indirect_vreg.gather [hbm4b:s4+s2], $0x80, v4, vm0, $0xb8;
	[tilespmem:$0x10080] =	vst v63  }
0x54: {  	_ = 	snop  }
0x55: {  	[tilespmem:s13], [sflag:$0x1] =	stream.indirect_vreg.gather [hbm4b:s3+s2], $0x80, v3, vm0, $0xb8;
	[tilespmem:$0x10080] =	vst v63  }
0x56: {  	_ = 	snop  }
0x57: {  	[tilespmem:s14], [sflag:$0x1] =	stream.indirect_vreg.gather [hbm4b:s4+s2], $0x80, v3, vm0, $0xb8;
	[tilespmem:$0x10080] =	vst v63  }
0x58: {  	v3 =	vld [tilespmem:$0x40];
	_ =	sdelay $0x4  }
0x59: {  	v60 =	vshll.u32 v3, $0x2  }
0x5a: {  	v3 =	vand.u32 $0x7, v3;
	v4 =	vand.u32 $0xFFFFFFE0, v60  }
0x5b: {  	v3 =	vor.u32 v3, v4  }
0x5c: {  	v4 =	vperm.xlane v3, v0;
	_ =	sdelay $0x1  }
0x5d: {  	v4 =	vadd.s32 v1, v4;
	_ =	sdelay $0x1  }
0x5e: {  	v3 =	vperm.xlane v3, v2;
	_ =	sdelay $0x1  }
0x5f: {  	v3 =	vadd.s32 v1, v3  }
0x60: {  	[tilespmem:s15], [sflag:$0x1] =	stream.indirect_vreg.gather [hbm4b:s3+s2], $0x80, v4, vm0, $0xb8;
	[tilespmem:$0x10080] =	vst v63  }
0x61: {  	_ = 	snop  }
0x62: {  	[tilespmem:s16], [sflag:$0x1] =	stream.indirect_vreg.gather [hbm4b:s4+s2], $0x80, v4, vm0, $0xb8;
	[tilespmem:$0x10080] =	vst v63  }
0x63: {  	_ = 	snop  }
0x64: {  	[tilespmem:s17], [sflag:$0x1] =	stream.indirect_vreg.gather [hbm4b:s3+s2], $0x80, v3, vm0, $0xb8;
	[tilespmem:$0x10080] =	vst v63  }
0x65: {  	_ = 	snop  }
0x66: {  	[tilespmem:s18], [sflag:$0x1] =	stream.indirect_vreg.gather [hbm4b:s4+s2], $0x80, v3, vm0, $0xb8;
	[tilespmem:$0x10080] =	vst v63  }
0x67: {  	v3 =	vld [tilespmem:$0x50];
	_ =	sdelay $0x4  }
0x68: {  	v61 =	vshll.u32 v3, $0x2  }
0x69: {  	v3 =	vand.u32 $0x7, v3;
	v4 =	vand.u32 $0xFFFFFFE0, v61  }
0x6a: {  	v3 =	vor.u32 v3, v4  }
0x6b: {  	v4 =	vperm.xlane v3, v0;
	_ =	sdelay $0x1  }
0x6c: {  	v4 =	vadd.s32 v1, v4;
	_ =	sdelay $0x1  }
0x6d: {  	v3 =	vperm.xlane v3, v2;
	_ =	sdelay $0x1  }
0x6e: {  	v3 =	vadd.s32 v1, v3  }
0x6f: {  	[tilespmem:s19], [sflag:$0x1] =	stream.indirect_vreg.gather [hbm4b:s3+s2], $0x80, v4, vm0, $0xb8;
	[tilespmem:$0x10080] =	vst v63  }
0x70: {  	_ = 	snop  }
0x71: {  	[tilespmem:s20], [sflag:$0x1] =	stream.indirect_vreg.gather [hbm4b:s4+s2], $0x80, v4, vm0, $0xb8;
	[tilespmem:$0x10080] =	vst v63  }
0x72: {  	_ = 	snop  }
0x73: {  	[tilespmem:s21], [sflag:$0x1] =	stream.indirect_vreg.gather [hbm4b:s3+s2], $0x80, v3, vm0, $0xb8;
	[tilespmem:$0x10080] =	vst v63  }
0x74: {  	_ = 	snop  }
0x75: {  	[tilespmem:s22], [sflag:$0x1] =	stream.indirect_vreg.gather [hbm4b:s4+s2], $0x80, v3, vm0, $0xb8;
	[tilespmem:$0x10080] =	vst v63  }
0x76: {  	v3 =	vld [tilespmem:$0x60];
	_ =	sdelay $0x4  }
0x77: {  	v62 =	vshll.u32 v3, $0x2  }
0x78: {  	v3 =	vand.u32 $0x7, v3;
	v4 =	vand.u32 $0xFFFFFFE0, v62  }
0x79: {  	v3 =	vor.u32 v3, v4  }
0x7a: {  	v4 =	vperm.xlane v3, v0;
	_ =	sdelay $0x1  }
0x7b: {  	v4 =	vadd.s32 v1, v4;
	_ =	sdelay $0x1  }
0x7c: {  	v3 =	vperm.xlane v3, v2;
	_ =	sdelay $0x1  }
0x7d: {  	v3 =	vadd.s32 v1, v3  }
0x7e: {  	[tilespmem:s23], [sflag:$0x1] =	stream.indirect_vreg.gather [hbm4b:s3+s2], $0x80, v4, vm0, $0xb8;
	[tilespmem:$0x10080] =	vst v63  }
0x7f: {  	_ = 	snop  }
0x80: {  	[tilespmem:s24], [sflag:$0x1] =	stream.indirect_vreg.gather [hbm4b:s4+s2], $0x80, v4, vm0, $0xb8;
	[tilespmem:$0x10080] =	vst v63  }
0x81: {  	_ = 	snop  }
0x82: {  	[tilespmem:s25], [sflag:$0x1] =	stream.indirect_vreg.gather [hbm4b:s3+s2], $0x80, v3, vm0, $0xb8;
	[tilespmem:$0x10080] =	vst v63  }
0x83: {  	_ = 	snop  }
0x84: {  	[tilespmem:s26], [sflag:$0x1] =	stream.indirect_vreg.gather [hbm4b:s4+s2], $0x80, v3, vm0, $0xb8;
	[tilespmem:$0x10080] =	vst v63  }
0x85: {  	v3 =	vld [tilespmem:$0x70];
	_ =	sdelay $0x4  }
0x86: {  	v63 =	vshll.u32 v3, $0x2  }
0x87: {  	v3 =	vand.u32 $0x7, v3;
	v4 =	vand.u32 $0xFFFFFFE0, v63  }
0x88: {  	v3 =	vor.u32 v3, v4  }
0x89: {  	v4 =	vperm.xlane v3, v0;
	_ =	sdelay $0x1  }
0x8a: {  	v4 =	vadd.s32 v1, v4;
	_ =	sdelay $0x1  }
0x8b: {  	v3 =	vperm.xlane v3, v2;
	_ =	sdelay $0x1  }
0x8c: {  	v3 =	vadd.s32 v1, v3  }
0x8d: {  	[tilespmem:s28], [sflag:$0x1] =	stream.indirect_vreg.gather [hbm4b:s3+s2], $0x80, v4, vm0, $0xb8;
	[tilespmem:$0x10080] =	vst v63  }
0x8e: {  	_ = 	snop  }
0x8f: {  	[tilespmem:s29], [sflag:$0x1] =	stream.indirect_vreg.gather [hbm4b:s4+s2], $0x80, v4, vm0, $0xb8;
	[tilespmem:$0x10080] =	vst v63  }
0x90: {  	_ = 	snop  }
0x91: {  	[tilespmem:s30], [sflag:$0x1] =	stream.indirect_vreg.gather [hbm4b:s3+s2], $0x80, v3, vm0, $0xb8;
	[tilespmem:$0x10080] =	vst v63  }
0x92: {  	_ = 	snop  }
0x93: {  	[tilespmem:s31], [sflag:$0x1] =	stream.indirect_vreg.gather [hbm4b:s4+s2], $0x80, v3, vm0, $0xb8;
	[tilespmem:$0x10080] =	vst v63  }
0x94: {  	_ =	swait.ge [sflag:s1], $0x10000  }
0x95: {  	p0 =	sne.s32 s5, $0x1;
	[sflag:s1] =	ssyncset.done $0x0  }
.Ltmp0:
0x96: {  	s8 =	rddreg [dreg:$0x4];
	[sflag:s1] =	ssyncadd.s32 $0xFFFF0000;
	(pc) =	sbr.rel @p0 .LBB2_1-.Ltmp0, $4  }
0x97: {  	[hbm4b:s8+s2] =	stream.linear.scatter [tilespmem:s7], [sflag:$0x2], $0x10000, $0x38;
	[tilespmem:$0x10080] =	vst v63  }
0x98: {  	_ =	swait.ge [sflag:s6], $0x10000  }
0x99: {  	[sflag:s6] =	ssyncset.done $0x0  }
0x9a: {  	s5 =	sadd.s32 $0xFFFFFFFF, s5;
	[sflag:s6] =	ssyncadd.s32 $0xFFFF0000  }
0x9b: {  	_ =	sfence.sel $0x180000  }
0x9c: {  	[bflag:$0x0] =	sbarrier.arrive $0xFFFF  }
0x9d: {  	_ =	strace $0x9000004A  }
0x9e: {  	s0 =	stileid.u32;
	[bflag:$0x2] =	sbarrier.arrive $0xFFFF  }
0x9f: {  	p0 =	sne.s32 s0, $0x0;
	s0 =	rddreg [dreg:$0x2]  }
0xa0: {  	s0 =	sadd.s32 @!p0 $0x100000, s0  }
0xa1: {  	[sflag:s0] =	ssyncadd.tile.s32 @!p0 $0x1;
	_ =	shalt  }
.Lfunc_end2:
_tile_overlayer_lowered:
.L_overlay_start_2:
0xa2: {  	(tag) =	ssettag $0x2  }
0xa3: {  	s0 =	rddreg [dreg:$0x0];
	s2 =	stileid.u32  }
0xa4: {  	s1 =	rddreg [dreg:$0x1];
	p0 =	sne.s32 s2, $0x0  }
0xa5: {  	s3 =	rddreg [dreg:$0x2];
	[bflag:$0x3] =	sbarrier.arrive $0xFFFF;
	s2 =	simm.s32 @!p0 $0x1C02  }
0xa6: {  	[timem:s3], [sflag:s2] =	dma.local @!p0 [hbm:s0], s1  }
0xa7: {  	s0 =	simm.s32 @!p0 $0x2  }
0xa8: {  	_ =	swait.ge @!p0 [sflag:s0], s1  }
0xa9: {  	s1 =	ssub.s32 @!p0 $0x0, s1;
	[sflag:s0] =	ssyncset.done @!p0 $0x0  }
0xaa: {  	[sflag:s0] =	ssyncadd.s32 @!p0 s1  }
0xab: {  	[bflag:$0x3] =	sbarrier.arrive $0xFFFF  }
0xac: {  	_ =	shalt  }

// kernel: kernel.7.cloned.1.call-start
scs
__scs_entry_jumppad:
0x0: {  	(pc) =	sbr.rel $0x88, $3  }
0x1: {  	(tag) =	ssettag $0x0;
	lr =	simm.s32 $0x1  }
0x2: {  	[smem:$0x3F94] =	sst lr;
	_ =	strace $0xD0000000  }
0x3: {  	_ = 	snop  }
0x4: {  	_ = 	snop  }
0x5: {  	_ = 	snop  }
0x6: {  	_ = 	snop  }
0x7: {  	_ = 	snop  }
__scs_overlays_trampoline_lowered:
0x8: {  	[smem:$0x3FA3] =	sst s0  }
0x9: {  	[smem:$0x3FA4] =	sst s1  }
0xa: {  	[smem:$0x3FA5] =	sst s2  }
0xb: {  	[smem:$0x3FA6] =	sst s3  }
0xc: {  	[smem:$0x3FA7] =	sst s4  }
0xd: {  	[smem:$0x3FA8] =	sst s5  }
0xe: {  	[smem:$0x3FA9] =	sst s6  }
0xf: {  	[smem:$0x3FAA] =	sst s7  }
0x10: {  	[smem:$0x3FAB] =	sst s8  }
0x11: {  	[smem:$0x3FAC] =	sst s9;
	s0 =	simm.s32 @!p0 $0x0  }
0x12: {  	s1 =	sld [smem:$0x3F92];
	s0 =	simm.s32 @p0 $0x1  }
0x13: {  	[smem:$0x3FAD] =	sst s0;
	s0 =	simm.s32 @!p1 $0x0  }
0x14: {  	s2 =	sld [smem:$0x3F91];
	s0 =	simm.s32 @p1 $0x1  }
0x15: {  	[smem:$0x3FAE] =	sst s0;
	s0 =	simm.s32 @!p2 $0x0  }
0x16: {  	s3 =	sld [smem:$0x3FDB];
	s0 =	simm.s32 @p2 $0x1  }
0x17: {  	s4 =	simm.s32 $0x1BF5;
	[smem:$0x3FB0] =	sst s0  }
0x18: {  	s0 =	sld [smem:$0x3F93];
	_ =	swait.ge [sflag:s4], $0x0  }
0x19: {  	s7 =	sld [smem:$0x3F94]  }
0x1a: {  	s8 =	sadd.s32 $0xFFFFE003, lr  }
0x1b: {  	s9 =	sadd.s32 $0xFFFFFEF7, lr;
	s5 =	simm.s32 $0xFFFFFFFF;
	p2 =	slt.u32 s8, $0xFFFFF086  }
0x1c: {  	p1 =	slt.u32 s9, $0xF7A;
	s5 =	simm.s32 @!p2 $0x0  }
0x1d: {  	s5 =	simm.s32 @p1 $0x1;
	p0 =	seq.s32 s7, s2  }
0x1e: {  	s7 =	smul.u32 @!p0 $0xF7A, s2;
	p2 =	seq.s32 @!p0 s5, $0x0  }
0x1f: {  	s9 =	smul.u32 $0xF7A, s1;
	s8 =	simm.s32 @!p0 $0x1BF5;
	p2 =	por !p2, p0  }
0x20: {  	[sflag:s8] =	ssyncset.s32 @!p0 $0xFFFFF086;
	s6 =	sadd.s32 @!p0 s3, s7;
	s7 =	simm.s32 @!p0 $0x108  }
0x21: {  	s3 =	sadd.s32 s3, s9;
	s6 =	sadd.s32 @!p0 $0x88, s6;
	s7 =	simm.s32 @p2 $0x1082  }
0x22: {  	[simem:s7], [sflag:s8] =	dma.local @!p0 [hbm:s6], $0xF7A  }
0x23: {  	s9 =	sor.u32 $0xD0000000, s2;
	s6 =	simm.s32 $0x108;
	_ =	swait.ge @!p0 [sflag:s8], $0x0  }
0x24: {  	s3 =	sadd.s32 $0x88, s3;
	s6 =	simm.s32 @!p1 $0x1082;
	[sflag:s4] =	ssyncset.s32 $0xFFFFF086  }
0x25: {  	[simem:s6], [sflag:s4] =	dma.local [hbm:s3], $0xF7A  }
0x26: {  	[smem:$0x3F94] =	sst s1;
	(tag) =	ssettag s2;
	_ =	strace s9  }
0x27: {  	s1 =	sld [smem:$0x3FA4]  }
0x28: {  	s2 =	sld [smem:$0x3FA5]  }
0x29: {  	s4 =	sld [smem:$0x3FA7]  }
0x2a: {  	p0 =	seq.s32 s5, $0x0;
	s5 =	sld [smem:$0x3FA8]  }
0x2b: {  	s6 =	sld [smem:$0x3FA9]  }
0x2c: {  	s7 =	sld [smem:$0x3FAA]  }
0x2d: {  	s3 =	simm.s32 $0x108;
	s8 =	sld [smem:$0x3FAB]  }
0x2e: {  	s3 =	simm.s32 @!p0 $0x1082;
	s9 =	sld [smem:$0x3FAC]  }
0x2f: {  	lr =	sadd.s32 s0, s3;
	s0 =	sld [smem:$0x3FA3]  }
0x30: {  	s3 =	sld [smem:$0x3FA6]  }
0x31: {  	[smem:$0x3FAF] =	sst s10  }
0x32: {  	s10 =	sld [smem:$0x3FAD];
	_ =	sdelay $0x3  }
0x33: {  	p0 =	seq.s32 s10, $0x1;
	s10 =	sld [smem:$0x3FAF];
	_ =	sdelay $0x3  }
0x34: {  	[smem:$0x3FAF] =	sst s10  }
0x35: {  	s10 =	sld [smem:$0x3FAE];
	_ =	sdelay $0x3  }
0x36: {  	p1 =	seq.s32 s10, $0x1;
	s10 =	sld [smem:$0x3FAF];
	_ =	sdelay $0x3  }
0x37: {  	[smem:$0x3FAF] =	sst s10  }
0x38: {  	s10 =	sld [smem:$0x3FB0]  }
0x39: {  	_ = 	snop;
	(pc) =	sbr.ind lr, $3  }
0x3a: {  	_ = 	snop  }
0x3b: {  	_ = 	snop  }
0x3c: {  	p2 =	seq.s32 s10, $0x1;
	s10 =	sld [smem:$0x3FAF]  }
0x3d: {  	_ =	shalt  }
0x3e: {  	_ =	shalt  }
0x3f: {  	_ =	shalt  }
0x40: {  	_ =	shalt  }
0x41: {  	_ =	shalt  }
0x42: {  	_ =	shalt  }
0x43: {  	_ =	shalt  }
0x44: {  	_ =	shalt  }
0x45: {  	_ =	shalt  }
0x46: {  	_ =	shalt  }
0x47: {  	_ =	shalt  }
0x48: {  	_ =	shalt  }
0x49: {  	_ =	shalt  }
0x4a: {  	_ =	shalt  }
0x4b: {  	_ =	shalt  }
0x4c: {  	_ =	shalt  }
0x4d: {  	_ =	shalt  }
0x4e: {  	_ =	shalt  }
0x4f: {  	_ =	shalt  }
0x50: {  	_ =	shalt  }
0x51: {  	_ =	shalt  }
0x52: {  	_ =	shalt  }
0x53: {  	_ =	shalt  }
0x54: {  	_ =	shalt  }
0x55: {  	_ =	shalt  }
0x56: {  	_ =	shalt  }
0x57: {  	_ =	shalt  }
0x58: {  	_ =	shalt  }
0x59: {  	_ =	shalt  }
0x5a: {  	_ =	shalt  }
0x5b: {  	_ =	shalt  }
0x5c: {  	_ =	shalt  }
0x5d: {  	_ =	shalt  }
0x5e: {  	_ =	shalt  }
0x5f: {  	_ =	shalt  }
0x60: {  	_ =	shalt  }
0x61: {  	_ =	shalt  }
0x62: {  	_ =	shalt  }
0x63: {  	_ =	shalt  }
0x64: {  	_ =	shalt  }
0x65: {  	_ =	shalt  }
0x66: {  	_ =	shalt  }
0x67: {  	_ =	shalt  }
0x68: {  	_ =	shalt  }
0x69: {  	_ =	shalt  }
0x6a: {  	_ =	shalt  }
0x6b: {  	_ =	shalt  }
0x6c: {  	_ =	shalt  }
0x6d: {  	_ =	shalt  }
0x6e: {  	_ =	shalt  }
0x6f: {  	_ =	shalt  }
0x70: {  	_ =	shalt  }
0x71: {  	_ =	shalt  }
0x72: {  	_ =	shalt  }
0x73: {  	_ =	shalt  }
0x74: {  	_ =	shalt  }
0x75: {  	_ =	shalt  }
0x76: {  	_ =	shalt  }
0x77: {  	_ =	shalt  }
0x78: {  	_ =	shalt  }
0x79: {  	_ =	shalt  }
0x7a: {  	_ =	shalt  }
0x7b: {  	_ =	shalt  }
0x7c: {  	_ =	shalt  }
0x7d: {  	_ =	shalt  }
0x7e: {  	_ =	shalt  }
0x7f: {  	_ =	shalt  }
0x80: {  	_ =	shalt  }
0x81: {  	_ =	shalt  }
0x82: {  	_ =	shalt  }
0x83: {  	_ =	shalt  }
0x84: {  	_ =	shalt  }
0x85: {  	_ =	shalt  }
0x86: {  	_ =	shalt  }
0x87: {  	_ =	shalt  }
.Lfunc_end0:
.L_simem_size_0:
called_computation_lowered:
.L_overlay_start_0:
0x88: {  	s2 =	sld [smem:$0x3FD9]  }
0x89: {  	s3 =	sld [smem:$0x3FFE];
	_ =	sdelay $0x1  }
0x8a: {  	s1 =	srdreg.scid  }
0x8b: {  	s0 =	sand.u32 $0x1, s1  }
0x8c: {  	s14 =	sshll.u32 s0, $0xA;
	s2 =	sadd.s32 s3, s2  }
0x8d: {  	s2 =	sadd.s32 s2, s14  }
0x8e: {  	[smem:$0x3FBB] =	sst s2  }
0x8f: {  	_ = 	snop  }
0x90: {  	s2 =	sld [smem:$0x3FD0];
	_ =	sdelay $0x2  }
0x91: {  	s15 =	simm.s32 $0xA;
	s4 =	simm.s32 $0x10  }
0x92: {  	[smem:s4], [sflag:s15] =	dma.local [hbm:s2], $0x1  }
0x93: {  	_ =	swait.eq [sflag:s15], $0x1  }
0x94: {  	[sflag:s15] =	ssyncset.done $0x0  }
0x95: {  	[sflag:s15] =	ssyncadd.s32 $0xFFFFFFFF  }
0x96: {  	s16 =	sld [smem:$0x10];
	(tm) =	ssettm $0x1  }
0x97: {  	s17 =	sld [smem:$0x3FFB];
	_ =	sdelay $0x3  }
0x98: {  	_ =	strace s17  }
0x99: {  	s3 =	sld [smem:$0x3FFC];
	_ =	sdelay $0x3  }
0x9a: {  	_ =	strace s3  }
0x9b: {  	s3 =	sld [smem:$0x3FFD];
	_ =	sdelay $0x3  }
0x9c: {  	_ =	strace s3  }
0x9d: {  	_ =	strace $0x8FFFFFFF  }
0x9e: {  	s18 =	sld [smem:$0x3FDB];
	_ =	sdelay $0x1  }
0x9f: {  	s19 =	simm.s32 $_scs_section_size  }
0xa0: {  	s5 =	simm.s32 $_size__tile_overlayer_lowered;
	s6 =	simm.s32 $_tile_overlayer_lowered  }
0xa1: {  	s22 =	simm.s32 $0x1BFF;
	s21 =	sshll.u32 s6, $0x1;
	s3 =	sadd.s32 s19, s18  }
0xa2: {  	s7 =	simm.s32 $0x0;
	s20 =	sshll.u32 s5, $0x1;
	s5 =	sadd.s32 s21, s3  }
0xa3: {  	[timem:s7], [sflag:s22] =	dma.local [hbm:s5], s20  }
0xa4: {  	_ =	swait.ge [sflag:s22], s20  }
0xa5: {  	s4 =	ssub.s32 $0x0, s20;
	[sflag:s22] =	ssyncset.done $0x0  }
0xa6: {  	[sflag:s22] =	ssyncadd.s32 s4;
	_ =	sdelay $0x1  }
0xa7: {  	s23 =	simm.s32 $0x1B8B  }
0xa8: {  	_ =	swait.ge [sflag:s23], $0x1  }
0xa9: {  	[sflag:s23] =	ssyncset.done $0x0  }
0xaa: {  	s25 =	simm.s32 $0x1B8E;
	s24 =	sld [smem:$0x3FFE];
	[sflag:s23] =	ssyncadd.s32 $0xFFFFFFFF  }
0xab: {  	s26 =	simm.s32 $execute0_lowered;
	[smem:$0x3FD2] =	sst s25  }
0xac: {  	s5 =	sshll.u32 s26, $0x1;
	_ =	strace $0x80000046;
	[dreg:$0x1] =	wrdreg $0xFFFFFFFF  }
0xad: {  	s28 =	simm.s32 $_size_execute0_lowered;
	s3 =	sadd.s32 s3, s5;
	[dreg:$0x0] =	wrdreg $0x0  }
0xae: {  	s5 =	sshll.u32 s28, $0x1;
	[dreg:$0x2] =	wrdreg s3  }
0xaf: {  	[dreg:$0x3] =	wrdreg s5  }
0xb0: {  	[dreg:$0x4] =	wrdreg $0xC0  }
0xb1: {  	_ =	task [dreg:s7], $0x5FFFF  }
0xb2: {  	[dreg:$0x1] =	wrdreg $0xFFFFFFFF  }
0xb3: {  	[dreg:$0x0] =	wrdreg $0x60  }
0xb4: {  	[dreg:$0x2] =	wrdreg s16  }
0xb5: {  	[dreg:$0x3] =	wrdreg s24  }
0xb6: {  	[dreg:$0x4] =	wrdreg $0x9  }
0xb7: {  	_ =	task.clear_ibuf [dreg:s7], $0x5FFFF;
	_ =	strace $0x90000046  }
0xb8: {  	s29 =	simm.s32 $0x9;
	_ =	strace $0x80000048  }
0xb9: {  	_ =	swait.ge [sflag:s29], $0x1  }
0xba: {  	[sflag:s29] =	ssyncadd.s32 $0xFFFFFFFF  }
0xbb: {  	_ =	strace $0x90000048  }
0xbc: {  	_ =	sfence  }
0xbd: {  	s30 =	sld [smem:$0x0];
	_ =	sdelay $0x2  }
0xbe: {  	s31 =	sshll.u32 s1, $0xD;
	s1 =	sshrl.u32 s1, $0x2  }
0xbf: {  	s3 =	sand.u32 $0x4000, s31;
	s1 =	sadd.s32 s1, s30  }
0xc0: {  	s0 =	sor.u32 s3, s0;
	s1 =	sshll.u32 s1, $0x11  }
0xc1: {  	s0 =	sor.u32 s1, s0  }
0xc2: {  	s0 =	sadd.s32 $0x8F2B, s0  }
0xc3: {  	[sflag:s0] =	ssyncadd.remote.s32 $0x1  }
0xc4: {  	_ =	sfence.sel $0xFFFF  }
0xc5: {  	[dreg:$0x0] =	wrdreg $0xFFFFFFFF;
	(pc) =	sbr.abs _section_cstart, $3  }
0xc6: {  	[dreg:$0x1] =	wrdreg $0xFFFFFFFF  }
0xc7: {  	_ =	task.clear_ibuf [dreg:s7], $0x2FFFF;
	_ =	strace $0x9FFFFFFF  }
0xc8: {  	(tm) =	ssettm $0x7FFFFFFF  }
0xc9: {  	_ =	shalt  }
tec
execute0_lowered:
.L_overlay_start_1:
0x0: {  	(tag) =	ssettag $0x1  }
0x1: {  	s1 =	srdreg.scid  }
0x2: {  	s0 =	stileid.u32;
	s3 =	rddreg [dreg:$0x0]  }
0x3: {  	s5 =	rddreg [dreg:$0x1];
	s18 =	simm.s32 $0x880;
	s19 =	simm.s32 $0x1080  }
0x4: {  	s20 =	simm.s32 $0x1880;
	s21 =	simm.s32 $0x2080;
	s23 =	simm.s32 $0x2880  }
0x5: {  	s24 =	simm.s32 $0x3080;
	s25 =	simm.s32 $0x3880;
	s26 =	simm.s32 $0x4080  }
0x6: {  	s7 =	simm.s32 $0x80;
	s9 =	simm.s32 $0x5080;
	s10 =	simm.s32 $0x5880  }
0x7: {  	s11 =	simm.s32 $0x6080;
	s12 =	simm.s32 $0x6880;
	s1 =	sand.u32 $0x1, s1  }
0x8: {  	s13 =	simm.s32 $0x7080;
	s2 =	sshll.u32 s0, $0x8;
	s4 =	sshll.u32 s1, $0x7  }
0x9: {  	s14 =	simm.s32 $0x7880;
	s4 =	sor.u32 s4, s2;
	s2 =	simm.s32 $0x0  }
0xa: {  	s15 =	simm.s32 $0x8080;
	s16 =	simm.s32 $0x8880;
	[smem:$0x7FF] =	sst s2  }
0xb: {  	s17 =	simm.s32 $0x9080;
	_ =	strace $0x80000047;
	[dreg:$0x5] =	wrdreg s18  }
0xc: {  	s28 =	simm.s32 $0xE080;
	s29 =	simm.s32 $0xE880;
	[dreg:$0x6] =	wrdreg s19  }
0xd: {  	s30 =	simm.s32 $0xF080;
	s1 =	ssub.s32 $0x2, s1;
	[dreg:$0x7] =	wrdreg s20  }
0xe: {  	s31 =	simm.s32 $0xF880;
	s22 =	sshrl.u32 s1, $0x1;
	[dreg:$0x8] =	wrdreg s21  }
0xf: {  	s6 =	sshrl.u32 s4, $0x3;
	s4 =	sshll.u32 s4, $0x6;
	[dreg:$0x9] =	wrdreg s23  }
0x10: {  	s1 =	ssub.s32 s1, s22;
	s22 =	simm.s32 $0xB880;
	[dreg:$0xa] =	wrdreg s24  }
0x11: {  	s6 =	sadd.s32 s6, s5;
	s4 =	sand.u32 $0x1E000, s4;
	[dreg:$0xb] =	wrdreg s25  }
0x12: {  	[dreg:$0xc] =	wrdreg s26;
	s18 =	simm.s32 $0x9880;
	s19 =	simm.s32 $0xA080  }
0x13: {  	s20 =	simm.s32 $0xA880;
	s21 =	simm.s32 $0xB080;
	s23 =	simm.s32 $0xC080  }
0x14: {  	s24 =	simm.s32 $0xC880;
	s25 =	simm.s32 $0xD080;
	s6 =	sadd.s32 $0x1E00, s6  }
0x15: {  	v2 =	vlaneseq.u32;
	s26 =	simm.s32 $0xD880;
	s3 =	sadd.s32 s3, s4;
	[dreg:$0x3] =	wrdreg s6  }
0x16: {  	vm0 =	vmmov $0xffff;
	v1 =	vshrl.u32 v2, $0x3;
	s4 =	sadd.s32 $0x2100, s5;
	[dreg:$0x4] =	wrdreg s3;
	s3 =	sadd.s32 $0x2000, s5  }
0x17: {  	v0 =	vand.u32 $0x7, v2;
	v2 =	vor.u32 $0x8, v2;
	v1 =	vmul.u32 $0x8, v1;
	s5 =	smax.u32 s1, $0x1;
	s6 =	simm.s32 $0x2;
	s1 =	simm.s32 $0x1  }
.LBB2_1:
0x18: {  	s0 =	rddreg [dreg:$0x3]  }
0x19: {  	[tilespmem:s2], [sflag:$0x2] =	stream.linear.gather [hbm4b:s0+s2], $0x80, $0x38;
	[tilespmem:$0x10080] =	vst v63  }
0x1a: {  	_ =	swait.ge [sflag:s6], $0x80  }
0x1b: {  	[sflag:s6] =	ssyncset.done $0x0  }
0x1c: {  	s8 =	rddreg [dreg:$0x4];
	[sflag:s6] =	ssyncadd.s32 $0xFFFFFF80  }
0x1d: {  	[tilespmem:s7], [sflag:$0x2] =	stream.linear.gather [hbm4b:s8+s2], $0x10000, $0x38;
	[tilespmem:$0x10080] =	vst v63  }
0x1e: {  	_ =	swait.ge [sflag:s6], $0x10000  }
0x1f: {  	[sflag:s6] =	ssyncset.done $0x0  }
0x20: {  	[sflag:s6] =	ssyncadd.s32 $0xFFFF0000  }
0x21: {  	v3 =	vld [tilespmem:$0x0];
	_ =	sdelay $0x4  }
0x22: {  	v4 =	vshll.u32 v3, $0x2  }
0x23: {  	v3 =	vand.u32 $0x7, v3;
	v4 =	vand.u32 $0xFFFFFFE0, v4  }
0x24: {  	v3 =	vor.u32 v3, v4  }
0x25: {  	v4 =	vperm.xlane v3, v0;
	_ =	sdelay $0x1  }
0x26: {  	v4 =	vadd.s32 v1, v4;
	_ =	sdelay $0x1  }
0x27: {  	v3 =	vperm.xlane v3, v2;
	_ =	sdelay $0x1  }
0x28: {  	v3 =	vadd.s32 v1, v3  }
0x29: {  	[hbm4b:s3+s2] =	stream.indirect_vreg.scatter [tilespmem:s7], [sflag:$0x1], $0x80, v4, vm0, $0xb8;
	[tilespmem:$0x10080] =	vst v63  }
0x2a: {  	s0 =	rddreg [dreg:$0x5]  }
0x2b: {  	[hbm4b:s4+s2] =	stream.indirect_vreg.scatter [tilespmem:s0], [sflag:$0x1], $0x80, v4, vm0, $0xb8;
	[tilespmem:$0x10080] =	vst v63  }
0x2c: {  	s8 =	rddreg [dreg:$0x6]  }
0x2d: {  	[hbm4b:s3+s2] =	stream.indirect_vreg.scatter [tilespmem:s8], [sflag:$0x1], $0x80, v3, vm0, $0xb8;
	[tilespmem:$0x10080] =	vst v63  }
0x2e: {  	s0 =	rddreg [dreg:$0x7]  }
0x2f: {  	[hbm4b:s4+s2] =	stream.indirect_vreg.scatter [tilespmem:s0], [sflag:$0x1], $0x80, v3, vm0, $0xb8;
	[tilespmem:$0x10080] =	vst v63  }
0x30: {  	v3 =	vld [tilespmem:$0x10];
	_ =	sdelay $0x4  }
0x31: {  	v57 =	vshll.u32 v3, $0x2  }
0x32: {  	v3 =	vand.u32 $0x7, v3;
	v4 =	vand.u32 $0xFFFFFFE0, v57  }
0x33: {  	v3 =	vor.u32 v3, v4  }
0x34: {  	v4 =	vperm.xlane v3, v0;
	_ =	sdelay $0x1  }
0x35: {  	v4 =	vadd.s32 v1, v4;
	_ =	sdelay $0x1  }
0x36: {  	v3 =	vperm.xlane v3, v2;
	_ =	sdelay $0x1  }
0x37: {  	s0 =	rddreg [dreg:$0x8];
	v3 =	vadd.s32 v1, v3  }
0x38: {  	[hbm4b:s3+s2] =	stream.indirect_vreg.scatter [tilespmem:s0], [sflag:$0x1], $0x80, v4, vm0, $0xb8;
	[tilespmem:$0x10080] =	vst v63  }
0x39: {  	s8 =	rddreg [dreg:$0x9]  }
0x3a: {  	[hbm4b:s4+s2] =	stream.indirect_vreg.scatter [tilespmem:s8], [sflag:$0x1], $0x80, v4, vm0, $0xb8;
	[tilespmem:$0x10080] =	vst v63  }
0x3b: {  	s0 =	rddreg [dreg:$0xa]  }
0x3c: {  	[hbm4b:s3+s2] =	stream.indirect_vreg.scatter [tilespmem:s0], [sflag:$0x1], $0x80, v3, vm0, $0xb8;
	[tilespmem:$0x10080] =	vst v63  }
0x3d: {  	s8 =	rddreg [dreg:$0xb]  }
0x3e: {  	[hbm4b:s4+s2] =	stream.indirect_vreg.scatter [tilespmem:s8], [sflag:$0x1], $0x80, v3, vm0, $0xb8;
	[tilespmem:$0x10080] =	vst v63  }
0x3f: {  	v3 =	vld [tilespmem:$0x20];
	_ =	sdelay $0x4  }
0x40: {  	v58 =	vshll.u32 v3, $0x2  }
0x41: {  	v3 =	vand.u32 $0x7, v3;
	v4 =	vand.u32 $0xFFFFFFE0, v58  }
0x42: {  	v3 =	vor.u32 v3, v4  }
0x43: {  	v4 =	vperm.xlane v3, v0;
	_ =	sdelay $0x1  }
0x44: {  	v4 =	vadd.s32 v1, v4;
	_ =	sdelay $0x1  }
0x45: {  	v3 =	vperm.xlane v3, v2;
	_ =	sdelay $0x1  }
0x46: {  	s8 =	rddreg [dreg:$0xc];
	v3 =	vadd.s32 v1, v3  }
0x47: {  	[hbm4b:s3+s2] =	stream.indirect_vreg.scatter [tilespmem:s8], [sflag:$0x1], $0x80, v4, vm0, $0xb8;
	[tilespmem:$0x10080] =	vst v63  }
0x48: {  	s8 =	simm.s32 $0x4880  }
0x49: {  	[hbm4b:s4+s2] =	stream.indirect_vreg.scatter [tilespmem:s8], [sflag:$0x1], $0x80, v4, vm0, $0xb8;
	[tilespmem:$0x10080] =	vst v63  }
0x4a: {  	_ = 	snop  }
0x4b: {  	[hbm4b:s3+s2] =	stream.indirect_vreg.scatter [tilespmem:s9], [sflag:$0x1], $0x80, v3, vm0, $0xb8;
	[tilespmem:$0x10080] =	vst v63  }
0x4c: {  	_ = 	snop  }
0x4d: {  	[hbm4b:s4+s2] =	stream.indirect_vreg.scatter [tilespmem:s10], [sflag:$0x1], $0x80, v3, vm0, $0xb8;
	[tilespmem:$0x10080] =	vst v63  }
0x4e: {  	v3 =	vld [tilespmem:$0x30];
	_ =	sdelay $0x4  }
0x4f: {  	v59 =	vshll.u32 v3, $0x2  }
0x50: {  	v3 =	vand.u32 $0x7, v3;
	v4 =	vand.u32 $0xFFFFFFE0, v59  }
0x51: {  	v3 =	vor.u32 v3, v4  }
0x52: {  	v4 =	vperm.xlane v3, v0;
	_ =	sdelay $0x1  }
0x53: {  	v4 =	vadd.s32 v1, v4;
	_ =	sdelay $0x1  }
0x54: {  	v3 =	vperm.xlane v3, v2;
	_ =	sdelay $0x1  }
0x55: {  	v3 =	vadd.s32 v1, v3  }
0x56: {  	[hbm4b:s3+s2] =	stream.indirect_vreg.scatter [tilespmem:s11], [sflag:$0x1], $0x80, v4, vm0, $0xb8;
	[tilespmem:$0x10080] =	vst v63  }
0x57: {  	_ = 	snop  }
0x58: {  	[hbm4b:s4+s2] =	stream.indirect_vreg.scatter [tilespmem:s12], [sflag:$0x1], $0x80, v4, vm0, $0xb8;
	[tilespmem:$0x10080] =	vst v63  }
0x59: {  	_ = 	snop  }
0x5a: {  	[hbm4b:s3+s2] =	stream.indirect_vreg.scatter [tilespmem:s13], [sflag:$0x1], $0x80, v3, vm0, $0xb8;
	[tilespmem:$0x10080] =	vst v63  }
0x5b: {  	_ = 	snop  }
0x5c: {  	[hbm4b:s4+s2] =	stream.indirect_vreg.scatter [tilespmem:s14], [sflag:$0x1], $0x80, v3, vm0, $0xb8;
	[tilespmem:$0x10080] =	vst v63  }
0x5d: {  	v3 =	vld [tilespmem:$0x40];
	_ =	sdelay $0x4  }
0x5e: {  	v60 =	vshll.u32 v3, $0x2  }
0x5f: {  	v3 =	vand.u32 $0x7, v3;
	v4 =	vand.u32 $0xFFFFFFE0, v60  }
0x60: {  	v3 =	vor.u32 v3, v4  }
0x61: {  	v4 =	vperm.xlane v3, v0;
	_ =	sdelay $0x1  }
0x62: {  	v4 =	vadd.s32 v1, v4;
	_ =	sdelay $0x1  }
0x63: {  	v3 =	vperm.xlane v3, v2;
	_ =	sdelay $0x1  }
0x64: {  	v3 =	vadd.s32 v1, v3  }
0x65: {  	[hbm4b:s3+s2] =	stream.indirect_vreg.scatter [tilespmem:s15], [sflag:$0x1], $0x80, v4, vm0, $0xb8;
	[tilespmem:$0x10080] =	vst v63  }
0x66: {  	_ = 	snop  }
0x67: {  	[hbm4b:s4+s2] =	stream.indirect_vreg.scatter [tilespmem:s16], [sflag:$0x1], $0x80, v4, vm0, $0xb8;
	[tilespmem:$0x10080] =	vst v63  }
0x68: {  	_ = 	snop  }
0x69: {  	[hbm4b:s3+s2] =	stream.indirect_vreg.scatter [tilespmem:s17], [sflag:$0x1], $0x80, v3, vm0, $0xb8;
	[tilespmem:$0x10080] =	vst v63  }
0x6a: {  	_ = 	snop  }
0x6b: {  	[hbm4b:s4+s2] =	stream.indirect_vreg.scatter [tilespmem:s18], [sflag:$0x1], $0x80, v3, vm0, $0xb8;
	[tilespmem:$0x10080] =	vst v63  }
0x6c: {  	v3 =	vld [tilespmem:$0x50];
	_ =	sdelay $0x4  }
0x6d: {  	v61 =	vshll.u32 v3, $0x2  }
0x6e: {  	v3 =	vand.u32 $0x7, v3;
	v4 =	vand.u32 $0xFFFFFFE0, v61  }
0x6f: {  	v3 =	vor.u32 v3, v4  }
0x70: {  	v4 =	vperm.xlane v3, v0;
	_ =	sdelay $0x1  }
0x71: {  	v4 =	vadd.s32 v1, v4;
	_ =	sdelay $0x1  }
0x72: {  	v3 =	vperm.xlane v3, v2;
	_ =	sdelay $0x1  }
0x73: {  	v3 =	vadd.s32 v1, v3  }
0x74: {  	[hbm4b:s3+s2] =	stream.indirect_vreg.scatter [tilespmem:s19], [sflag:$0x1], $0x80, v4, vm0, $0xb8;
	[tilespmem:$0x10080] =	vst v63  }
0x75: {  	_ = 	snop  }
0x76: {  	[hbm4b:s4+s2] =	stream.indirect_vreg.scatter [tilespmem:s20], [sflag:$0x1], $0x80, v4, vm0, $0xb8;
	[tilespmem:$0x10080] =	vst v63  }
0x77: {  	_ = 	snop  }
0x78: {  	[hbm4b:s3+s2] =	stream.indirect_vreg.scatter [tilespmem:s21], [sflag:$0x1], $0x80, v3, vm0, $0xb8;
	[tilespmem:$0x10080] =	vst v63  }
0x79: {  	_ = 	snop  }
0x7a: {  	[hbm4b:s4+s2] =	stream.indirect_vreg.scatter [tilespmem:s22], [sflag:$0x1], $0x80, v3, vm0, $0xb8;
	[tilespmem:$0x10080] =	vst v63  }
0x7b: {  	v3 =	vld [tilespmem:$0x60];
	_ =	sdelay $0x4  }
0x7c: {  	v62 =	vshll.u32 v3, $0x2  }
0x7d: {  	v3 =	vand.u32 $0x7, v3;
	v4 =	vand.u32 $0xFFFFFFE0, v62  }
0x7e: {  	v3 =	vor.u32 v3, v4  }
0x7f: {  	v4 =	vperm.xlane v3, v0;
	_ =	sdelay $0x1  }
0x80: {  	v4 =	vadd.s32 v1, v4;
	_ =	sdelay $0x1  }
0x81: {  	v3 =	vperm.xlane v3, v2;
	_ =	sdelay $0x1  }
0x82: {  	v3 =	vadd.s32 v1, v3  }
0x83: {  	[hbm4b:s3+s2] =	stream.indirect_vreg.scatter [tilespmem:s23], [sflag:$0x1], $0x80, v4, vm0, $0xb8;
	[tilespmem:$0x10080] =	vst v63  }
0x84: {  	_ = 	snop  }
0x85: {  	[hbm4b:s4+s2] =	stream.indirect_vreg.scatter [tilespmem:s24], [sflag:$0x1], $0x80, v4, vm0, $0xb8;
	[tilespmem:$0x10080] =	vst v63  }
0x86: {  	_ = 	snop  }
0x87: {  	[hbm4b:s3+s2] =	stream.indirect_vreg.scatter [tilespmem:s25], [sflag:$0x1], $0x80, v3, vm0, $0xb8;
	[tilespmem:$0x10080] =	vst v63  }
0x88: {  	_ = 	snop  }
0x89: {  	[hbm4b:s4+s2] =	stream.indirect_vreg.scatter [tilespmem:s26], [sflag:$0x1], $0x80, v3, vm0, $0xb8;
	[tilespmem:$0x10080] =	vst v63  }
0x8a: {  	v3 =	vld [tilespmem:$0x70];
	_ =	sdelay $0x4  }
0x8b: {  	v63 =	vshll.u32 v3, $0x2  }
0x8c: {  	v3 =	vand.u32 $0x7, v3;
	v4 =	vand.u32 $0xFFFFFFE0, v63  }
0x8d: {  	v3 =	vor.u32 v3, v4  }
0x8e: {  	v4 =	vperm.xlane v3, v0;
	_ =	sdelay $0x1  }
0x8f: {  	v4 =	vadd.s32 v1, v4;
	_ =	sdelay $0x1  }
0x90: {  	v3 =	vperm.xlane v3, v2;
	_ =	sdelay $0x1  }
0x91: {  	v3 =	vadd.s32 v1, v3  }
0x92: {  	[hbm4b:s3+s2] =	stream.indirect_vreg.scatter [tilespmem:s28], [sflag:$0x1], $0x80, v4, vm0, $0xb8;
	[tilespmem:$0x10080] =	vst v63  }
0x93: {  	_ = 	snop  }
0x94: {  	[hbm4b:s4+s2] =	stream.indirect_vreg.scatter [tilespmem:s29], [sflag:$0x1], $0x80, v4, vm0, $0xb8;
	[tilespmem:$0x10080] =	vst v63  }
0x95: {  	p0 =	sne.s32 s5, $0x1  }
0x96: {  	[hbm4b:s3+s2] =	stream.indirect_vreg.scatter [tilespmem:s30], [sflag:$0x1], $0x80, v3, vm0, $0xb8;
	[tilespmem:$0x10080] =	vst v63  }
.Ltmp0:
0x97: {  	_ = 	snop;
	(pc) =	sbr.rel @p0 .LBB2_1-.Ltmp0, $4  }
0x98: {  	[hbm4b:s4+s2] =	stream.indirect_vreg.scatter [tilespmem:s31], [sflag:$0x1], $0x80, v3, vm0, $0xb8;
	[tilespmem:$0x10080] =	vst v63  }
0x99: {  	_ =	swait.ge [sflag:s1], $0x10000  }
0x9a: {  	[sflag:s1] =	ssyncset.done $0x0  }
0x9b: {  	s5 =	sadd.s32 $0xFFFFFFFF, s5;
	[sflag:s1] =	ssyncadd.s32 $0xFFFF0000  }
0x9c: {  	_ =	sfence.sel $0x180000  }
0x9d: {  	[bflag:$0x0] =	sbarrier.arrive $0xFFFF  }
0x9e: {  	_ =	strace $0x90000047  }
0x9f: {  	s0 =	stileid.u32;
	[bflag:$0x2] =	sbarrier.arrive $0xFFFF  }
0xa0: {  	p0 =	sne.s32 s0, $0x0;
	s0 =	rddreg [dreg:$0x2]  }
0xa1: {  	s0 =	sadd.s32 @!p0 $0x100000, s0  }
0xa2: {  	[sflag:s0] =	ssyncadd.tile.s32 @!p0 $0x1;
	_ =	shalt  }
.Lfunc_end2:
_tile_overlayer_lowered:
.L_overlay_start_2:
0xa3: {  	(tag) =	ssettag $0x2  }
0xa4: {  	s0 =	rddreg [dreg:$0x0];
	s2 =	stileid.u32  }
0xa5: {  	s1 =	rddreg [dreg:$0x1];
	p0 =	sne.s32 s2, $0x0  }
0xa6: {  	s3 =	rddreg [dreg:$0x2];
	[bflag:$0x3] =	sbarrier.arrive $0xFFFF;
	s2 =	simm.s32 @!p0 $0x1C02  }
0xa7: {  	[timem:s3], [sflag:s2] =	dma.local @!p0 [hbm:s0], s1  }
0xa8: {  	s0 =	simm.s32 @!p0 $0x2  }
0xa9: {  	_ =	swait.ge @!p0 [sflag:s0], s1  }
0xaa: {  	s1 =	ssub.s32 @!p0 $0x0, s1;
	[sflag:s0] =	ssyncset.done @!p0 $0x0  }
0xab: {  	[sflag:s0] =	ssyncadd.s32 @!p0 s1  }
0xac: {  	[bflag:$0x3] =	sbarrier.arrive $0xFFFF  }
0xad: {  	_ =	shalt  }

</sc_bundles>
